<compile_context>
chip_gen: v7x
topology: tpu7x:2x2x1
jax: 0.10.2.dev20260603
libtpu: 0.0.44.dev20260713+nightly
codegen_flags: <defaults>
</compile_context>

<pallas_src>
import functools

import jax
import jax.numpy as jnp
from jax import lax
from jax.experimental import pallas as pl
from jax.experimental.pallas import tpu as pltpu
from jax.experimental.pallas import tpu_sc as plsc

_NUM_WORDS = 1000
_BATCH = 1024
_ROWS = 8
_COLS = 128
_PAD_W = 1024
_BLK = _COLS // 16
_SETTLE_MAX = 24

_mesh = plsc.VectorSubcoreMesh(core_axis_name="c", subcore_axis_name="s",
                               num_cores=1)


@functools.partial(
    pl.kernel,
    mesh=_mesh,
    out_type=jax.ShapeDtypeStruct((16,), jnp.float32),
    scratch_types=[
        pltpu.VMEM((_ROWS, _COLS), jnp.int32),
        pltpu.VMEM((_ROWS, _COLS), jnp.int32),
        pltpu.VMEM((_ROWS, _COLS), jnp.float32),
        pltpu.VMEM((_ROWS, _COLS), jnp.float32),
        pltpu.VMEM((_ROWS, _COLS), jnp.float32),
        pltpu.VMEM((_PAD_W,), jnp.float32),
        pltpu.VMEM((_PAD_W,), jnp.float32),
        pltpu.VMEM((16,), jnp.float32),
        pltpu.VMEM((16,), jnp.float32),
        pltpu.VMEM_SHARED((_PAD_W,), jnp.float32),
        pltpu.SemaphoreType.DMA,
        pltpu.SemaphoreType.DMA,
        pltpu.SemaphoreType.DMA,
    ],
)
def _negloss_sc(x_hbm, tgt_hbm, out_hbm, tgt_v, fidx_v, picked_v, ones_v,
                w_v, zeros_v, c_v, out_v, chk_v, c_sh, sem_g, sem_c, sem_w):
    wid = lax.axis_index("s") + lax.axis_index("c")

    @pl.when(wid == 0)
    def _():
        tgt_in = pltpu.async_copy(tgt_hbm, tgt_v, sem_g)

        def init_body(k, _):
            zeros_v[pl.ds(k * 16, 16)] = jnp.zeros((16,), jnp.float32)
            return 0

        lax.fori_loop(0, _PAD_W // 16, init_body, 0, unroll=4)
        zero_sh = pltpu.async_copy(zeros_v, c_sh, sem_c)

        def ones_body(k, _):
            ones_v[k // _BLK, pl.ds((k % _BLK) * 16, 16)] = jnp.full(
                (16,), 1.0, jnp.float32)
            return 0

        lax.fori_loop(0, _ROWS * _BLK, ones_body, 0, unroll=4)
        tgt_in.wait()
        zero_sh.wait()

        counts = [
            pltpu.async_copy(ones_v.at[j], c_sh.at[tgt_v.at[j]], sem_c,
                             add=True)
            for j in range(_ROWS)
        ]
        lane = lax.iota(jnp.int32, 16)

        def idx_body(k, _):
            j = k // _BLK
            col = (k % _BLK) * 16
            t = tgt_v[j, pl.ds(col, 16)]
            fidx_v[j, pl.ds(col, 16)] = (
                t + lane * _NUM_WORDS + k * 16 * _NUM_WORDS
            )
            return 0

        lax.fori_loop(0, _ROWS * _BLK, idx_body, 0, unroll=4)

        gathers = [
            pltpu.async_copy(x_hbm.at[fidx_v.at[j]], picked_v.at[j], sem_g)
            for j in range(_ROWS)
        ]
        for c in counts:
            c.wait()

        chk_v[...] = jnp.zeros((16,), jnp.float32)

        def settle_body(it, _):
            flag = chk_v[...]

            @pl.when(flag[0] != jnp.float32(_BATCH))
            def _():
                pltpu.sync_copy(c_sh, c_v)

                def sum_body(b, acc):
                    return acc + c_v[pl.ds(b * 16, 16)]

                acc = lax.fori_loop(0, _PAD_W // 16, sum_body,
                                    jnp.zeros((16,), jnp.float32), unroll=4)
                s = acc[0]
                for k in range(1, 16):
                    s = s + acc[k]
                chk_v[...] = jnp.full((16,), s, jnp.float32)

            return 0

        lax.fori_loop(0, _SETTLE_MAX, settle_body, 0)

        wgathers = [
            pltpu.async_copy(c_sh.at[tgt_v.at[j]], w_v.at[j], sem_w)
            for j in range(_ROWS)
        ]
        for g in gathers:
            g.wait()
        for g in wgathers:
            g.wait()

        def red_body(k, acc):
            acc_n, acc_d = acc
            j = k // _BLK
            col = (k % _BLK) * 16
            w = w_v[j, pl.ds(col, 16)]
            p = picked_v[j, pl.ds(col, 16)]
            return (acc_n + w * p, acc_d + w)

        acc_n, acc_d = lax.fori_loop(
            0, _ROWS * _BLK, red_body,
            (jnp.zeros((16,), jnp.float32), jnp.zeros((16,), jnp.float32)),
            unroll=4)
        num = acc_n[0]
        den = acc_d[0]
        for k in range(1, 16):
            num = num + acc_n[k]
            den = den + acc_d[k]
        num_vec = jnp.full((16,), num, jnp.float32)
        den_vec = jnp.full((16,), den, jnp.float32)
        out_v[...] = -(num_vec / den_vec)
        pltpu.sync_copy(out_v, out_hbm)


def kernel(input, target):
    x_flat = input.reshape(-1)
    tgt2d = target.reshape(_ROWS, _COLS)
    out = _negloss_sc(x_flat, tgt2d)
    return out[0]

# --- scband reference (transcript-rebuilt; emitter-appended) ---
"""Pipeline reference for scband-negloss-72447508348986 (READ-ONLY COPY).

The authoritative reference and input builder live on the scoring server;
editing this copy changes nothing except your own understanding.
"""

import jax, jax.numpy as jnp
import numpy as np

NUM_WORDS = 1000
NUM_NEG = 5
BATCH = 1024
NUM_CAND = 8192


def _neg_candidate_stream(n):
    # Faithful port of NEGLoss.sample()'s RNG usage: the generator is advanced
    # exactly once per loop iteration (accept or reject), so the candidate
    # sequence is a fixed, target-independent constant.
    # word_freqs are all 1 -> distribution is uniform over NUM_WORDS.
    freqs = np.ones(NUM_WORDS, dtype=np.float64)
    d = freqs ** 0.75
    d = d / np.linalg.norm(d)  # torch F.normalize (L2); multinomial renormalizes anyway
    p = d / d.sum()
    rng = np.random.default_rng(0)
    return np.array([int(rng.choice(NUM_WORDS, p=p)) for _ in range(n)],
                    dtype=np.int32)


_CANDS = jnp.asarray(_neg_candidate_stream(NUM_CAND))


def setup_inputs(seed: int = 0):
    key = jax.random.key(seed)
    k1, k2 = jax.random.split(key)
    inp = jax.random.normal(k1, (BATCH, NUM_WORDS), dtype=jnp.float32)
    target = jax.random.randint(k2, (BATCH,), 0, NUM_WORDS, dtype=jnp.int32)
    return {"input": inp, "target": target}


def reference(input, target):
    # weights[w] += 1 for each positive occurrence
    counts = jnp.zeros(NUM_WORDS, dtype=jnp.float32).at[target].add(1.0)
    pos = counts > 0

    def step(carry, s):
        w, cnt = carry
        take = jnp.logical_and(jnp.logical_not(pos[s]), cnt < NUM_NEG)
        w = w.at[s].add(jnp.where(take, 1.0, 0.0))
        cnt = cnt + jnp.where(take, 1, 0).astype(jnp.int32)
        return (w, cnt), None

    init = (jnp.zeros(NUM_WORDS, dtype=jnp.float32), jnp.int32(0))
    (w_neg, _), _ = jax.lax.scan(step, init, _CANDS)
    weight = counts + w_neg
    # nll_loss(input, target, weight) with default mean reduction:
    # loss = -sum_i weight[t_i] * input[i, t_i] / sum_i weight[t_i]
    w_t = jnp.take(weight, target)
    picked = jnp.take_along_axis(input, target[:, None], axis=1)[:, 0]
    loss = -jnp.sum(w_t * picked) / jnp.sum(w_t)
    return loss

if __name__ == "__main__":
    import jax
    _d = setup_inputs()
    print(jax.jit(kernel)(*tuple(_d.values())))

</pallas_src>

<mosaic_0001>
#map = affine_map<(d0, d1) -> (0)>
#map1 = affine_map<(d0, d1) -> (0, 0)>
module attributes {stable_mosaic.version = 14 : i64} {
  func.func @_negloss_sc(%arg0: i32, %arg1: i32, %arg2: memref<1024000xf32, #tpu.memory_space<hbm>>, %arg3: memref<8x128xi32, #tpu.memory_space<hbm>>, %arg4: memref<16xf32, #tpu.memory_space<hbm>>, %arg5: memref<8x128xi32, #tpu.memory_space<vmem>>, %arg6: memref<8x128xi32, #tpu.memory_space<vmem>>, %arg7: memref<8x128xf32, #tpu.memory_space<vmem>>, %arg8: memref<8x128xf32, #tpu.memory_space<vmem>>, %arg9: memref<8x128xf32, #tpu.memory_space<vmem>>, %arg10: memref<1024xf32, #tpu.memory_space<vmem>>, %arg11: memref<1024xf32, #tpu.memory_space<vmem>>, %arg12: memref<16xf32, #tpu.memory_space<vmem>>, %arg13: memref<16xf32, #tpu.memory_space<vmem>>, %arg14: memref<1024xf32, #tpu.memory_space<vmem_shared>>, %arg15: memref<!tpu.dma_semaphore, #tpu.memory_space<semaphore_mem>>, %arg16: memref<!tpu.dma_semaphore, #tpu.memory_space<semaphore_mem>>, %arg17: memref<!tpu.dma_semaphore, #tpu.memory_space<semaphore_mem>>) attributes {dimension_semantics = [#tpu.dimension_semantics<core_parallel>, #tpu.dimension_semantics<subcore_parallel>], iteration_bounds = array<i64: 1, 16>, scalar_prefetch = 0 : i64, scratch_operands = 13 : i64, tpu.core_type = #tpu.core_type<sc_vector_subcore>, window_params = [{transform_indices = #map}, {transform_indices = #map1}, {transform_indices = #map}]} {
    %add3A = arith.addi %arg1, %arg0 : i32
    %eq3A = arith.constant 0 : i32
    %eq3A_0 = arith.cmpi eq, %add3A, %eq3A : i32
    %convert_element_type3A = arith.extui %eq3A_0 : i1 to i32
    %cond3A = arith.constant 0 : i32
    %cond3A_1 = arith.cmpi ne, %convert_element_type3A, %cond3A : i32
    scf.if %cond3A_1 {
      tpu.enqueue_dma source(%arg3 : memref<8x128xi32, #tpu.memory_space<hbm>>) target(%arg5 : memref<8x128xi32, #tpu.memory_space<vmem>>) target_semaphore(%arg15 : memref<!tpu.dma_semaphore, #tpu.memory_space<semaphore_mem>>)
      %scan3A = arith.constant 0 : i32
      %scan3A_2 = arith.constant 0 : i32
      %scan3A_3 = arith.constant 64 : i32
      %scan3A_4 = arith.addi %scan3A_2, %scan3A_3 : i32
      %scan3A_5 = arith.constant 4 : i32
      %scan3A_6 = scf.for %scan3A_621 = %scan3A_2 to %scan3A_4 step %scan3A_5 iter_args(%scan3A_622 = %scan3A) -> (i32)  : i32 {
        %broadcast_in_dim3A_623 = arith.constant 0.000000e+00 : f32
        %broadcast_in_dim3A_624 = vector.broadcast %broadcast_in_dim3A_623 : f32 to vector<16xf32>
        %mul3A = arith.constant 16 : i32
        %mul3A_625 = arith.muli %scan3A_621, %mul3A : i32
        %swap3A_626 = arith.index_cast %mul3A_625 : i32 to index
        %swap3A_627 = tpu.vector_load %arg10[%swap3A_626] {strides = array<i32>} : memref<1024xf32, #tpu.memory_space<vmem>>, vector<16xf32>,
        %swap3A_628 = vector.shape_cast %swap3A_627 : vector<16xf32> to vector<16xf32>
        %swap3A_629 = vector.shape_cast %broadcast_in_dim3A_624 : vector<16xf32> to vector<16xf32>
        tpu.vector_store %arg10[%swap3A_626], %swap3A_629 {strides = array<i32>} : memref<1024xf32, #tpu.memory_space<vmem>>, vector<16xf32>,
        %scan3A_630 = arith.constant 0 : i32
        %scan3A_631 = arith.constant 1 : i32
        %scan3A_632 = arith.addi %scan3A_621, %scan3A_631 : i32
        %broadcast_in_dim3A_633 = arith.constant 0.000000e+00 : f32
        %broadcast_in_dim3A_634 = vector.broadcast %broadcast_in_dim3A_633 : f32 to vector<16xf32>
        %mul3A_635 = arith.constant 16 : i32
        %mul3A_636 = arith.muli %scan3A_632, %mul3A_635 : i32
        %swap3A_637 = arith.index_cast %mul3A_636 : i32 to index
        %swap3A_638 = tpu.vector_load %arg10[%swap3A_637] {strides = array<i32>} : memref<1024xf32, #tpu.memory_space<vmem>>, vector<16xf32>,
        %swap3A_639 = vector.shape_cast %swap3A_638 : vector<16xf32> to vector<16xf32>
        %swap3A_640 = vector.shape_cast %broadcast_in_dim3A_634 : vector<16xf32> to vector<16xf32>
        tpu.vector_store %arg10[%swap3A_637], %swap3A_640 {strides = array<i32>} : memref<1024xf32, #tpu.memory_space<vmem>>, vector<16xf32>,
        %scan3A_641 = arith.constant 0 : i32
        %scan3A_642 = arith.constant 2 : i32
        %scan3A_643 = arith.addi %scan3A_621, %scan3A_642 : i32
        %broadcast_in_dim3A_644 = arith.constant 0.000000e+00 : f32
        %broadcast_in_dim3A_645 = vector.broadcast %broadcast_in_dim3A_644 : f32 to vector<16xf32>
        %mul3A_646 = arith.constant 16 : i32
        %mul3A_647 = arith.muli %scan3A_643, %mul3A_646 : i32
        %swap3A_648 = arith.index_cast %mul3A_647 : i32 to index
        %swap3A_649 = tpu.vector_load %arg10[%swap3A_648] {strides = array<i32>} : memref<1024xf32, #tpu.memory_space<vmem>>, vector<16xf32>,
        %swap3A_650 = vector.shape_cast %swap3A_649 : vector<16xf32> to vector<16xf32>
        %swap3A_651 = vector.shape_cast %broadcast_in_dim3A_645 : vector<16xf32> to vector<16xf32>
        tpu.vector_store %arg10[%swap3A_648], %swap3A_651 {strides = array<i32>} : memref<1024xf32, #tpu.memory_space<vmem>>, vector<16xf32>,
        %scan3A_652 = arith.constant 0 : i32
        %scan3A_653 = arith.constant 3 : i32
        %scan3A_654 = arith.addi %scan3A_621, %scan3A_653 : i32
        %broadcast_in_dim3A_655 = arith.constant 0.000000e+00 : f32
        %broadcast_in_dim3A_656 = vector.broadcast %broadcast_in_dim3A_655 : f32 to vector<16xf32>
        %mul3A_657 = arith.constant 16 : i32
        %mul3A_658 = arith.muli %scan3A_654, %mul3A_657 : i32
        %swap3A_659 = arith.index_cast %mul3A_658 : i32 to index
        %swap3A_660 = tpu.vector_load %arg10[%swap3A_659] {strides = array<i32>} : memref<1024xf32, #tpu.memory_space<vmem>>, vector<16xf32>,
        %swap3A_661 = vector.shape_cast %swap3A_660 : vector<16xf32> to vector<16xf32>
        %swap3A_662 = vector.shape_cast %broadcast_in_dim3A_656 : vector<16xf32> to vector<16xf32>
        tpu.vector_store %arg10[%swap3A_659], %swap3A_662 {strides = array<i32>} : memref<1024xf32, #tpu.memory_space<vmem>>, vector<16xf32>,
        %scan3A_663 = arith.constant 0 : i32
        scf.yield %scan3A_663 : i32
      }
      %scan3A_7 = arith.constant 64 : i32
      tpu.enqueue_dma source(%arg10 : memref<1024xf32, #tpu.memory_space<vmem>>) target(%arg14 : memref<1024xf32, #tpu.memory_space<vmem_shared>>) target_semaphore(%arg16 : memref<!tpu.dma_semaphore, #tpu.memory_space<semaphore_mem>>)
      %scan3A_8 = arith.constant 0 : i32
      %scan3A_9 = arith.constant 0 : i32
      %scan3A_10 = arith.constant 64 : i32
      %scan3A_11 = arith.addi %scan3A_9, %scan3A_10 : i32
      %scan3A_12 = arith.constant 4 : i32
      %scan3A_13 = scf.for %scan3A_621 = %scan3A_9 to %scan3A_11 step %scan3A_12 iter_args(%scan3A_622 = %scan3A_8) -> (i32)  : i32 {
        %broadcast_in_dim3A_623 = arith.constant 1.000000e+00 : f32
        %broadcast_in_dim3A_624 = vector.broadcast %broadcast_in_dim3A_623 : f32 to vector<16xf32>
        %jit3A = arith.constant 8 : i32
        %div3A_625 = arith.divsi %scan3A_621, %jit3A : i32
        %sign3A = arith.constant 0 : i32
        %sign3A_626 = arith.cmpi sgt, %scan3A_621, %sign3A : i32
        %sign3A_627 = arith.extui %sign3A_626 : i1 to i32
        %sign3A_628 = arith.constant 0 : i32
        %sign3A_629 = arith.cmpi slt, %scan3A_621, %sign3A_628 : i32
        %sign3A_630 = arith.extui %sign3A_629 : i1 to i32
        %sign3A_631 = arith.subi %sign3A_627, %sign3A_630 : i32
        %sign3A_632 = arith.constant 0 : i32
        %sign3A_633 = arith.cmpi sgt, %jit3A, %sign3A_632 : i32
        %sign3A_634 = arith.extui %sign3A_633 : i1 to i32
        %sign3A_635 = arith.constant 0 : i32
        %sign3A_636 = arith.cmpi slt, %jit3A, %sign3A_635 : i32
        %sign3A_637 = arith.extui %sign3A_636 : i1 to i32
        %sign3A_638 = arith.subi %sign3A_634, %sign3A_637 : i32
        %ne3A = arith.cmpi ne, %sign3A_631, %sign3A_638 : i32
        %rem3A = arith.remsi %scan3A_621, %jit3A : i32
        %ne3A_639 = arith.constant 0 : i32
        %ne3A_640 = arith.cmpi ne, %rem3A, %ne3A_639 : i32
        %and3A = arith.andi %ne3A, %ne3A_640 : i1
        %sub3A = arith.constant 1 : i32
        %sub3A_641 = arith.subi %div3A_625, %sub3A : i32
        %select_n3A = arith.select %and3A, %sub3A_641, %div3A_625 : i32
        %jit3A_642 = arith.constant 8 : i32
        %eq3A_643 = arith.constant 0 : i32
        %eq3A_644 = arith.cmpi eq, %jit3A_642, %eq3A_643 : i32
        %jit3A_645 = arith.constant 1 : i32
        %select_n3A_646 = arith.select %eq3A_644, %jit3A_645, %jit3A_642 : i32
        %rem3A_647 = arith.remsi %scan3A_621, %select_n3A_646 : i32
        %ne3A_648 = arith.constant 0 : i32
        %ne3A_649 = arith.cmpi ne, %rem3A_647, %ne3A_648 : i32
        %lt3A = arith.constant 0 : i32
        %lt3A_650 = arith.cmpi slt, %rem3A_647, %lt3A : i32
        %lt3A_651 = arith.constant 0 : i32
        %lt3A_652 = arith.cmpi slt, %select_n3A_646, %lt3A_651 : i32
        %ne3A_653 = arith.xori %lt3A_650, %lt3A_652 : i1
        %and3A_654 = arith.andi %ne3A_653, %ne3A_649 : i1
        %add3A_655 = arith.addi %rem3A_647, %select_n3A_646 : i32
        %select_n3A_656 = arith.select %and3A_654, %add3A_655, %rem3A_647 : i32
        %mul3A = arith.constant 16 : i32
        %mul3A_657 = arith.muli %select_n3A_656, %mul3A : i32
        %swap3A_658 = arith.index_cast %select_n3A : i32 to index
        %swap3A_659 = arith.index_cast %mul3A_657 : i32 to index
        %swap3A_660 = tpu.vector_load %arg8[%swap3A_658, %swap3A_659] {strides = array<i32>} : memref<8x128xf32, #tpu.memory_space<vmem>>, vector<1x16xf32>,
        %swap3A_661 = vector.shape_cast %swap3A_660 : vector<1x16xf32> to vector<16xf32>
        %swap3A_662 = vector.shape_cast %broadcast_in_dim3A_624 : vector<16xf32> to vector<1x16xf32>
        tpu.vector_store %arg8[%swap3A_658, %swap3A_659], %swap3A_662 {strides = array<i32>} : memref<8x128xf32, #tpu.memory_space<vmem>>, vector<1x16xf32>,
        %scan3A_663 = arith.constant 0 : i32
        %scan3A_664 = arith.constant 1 : i32
        %scan3A_665 = arith.addi %scan3A_621, %scan3A_664 : i32
        %broadcast_in_dim3A_666 = arith.constant 1.000000e+00 : f32
        %broadcast_in_dim3A_667 = vector.broadcast %broadcast_in_dim3A_666 : f32 to vector<16xf32>
        %jit3A_668 = arith.constant 8 : i32
        %div3A_669 = arith.divsi %scan3A_665, %jit3A_668 : i32
        %sign3A_670 = arith.constant 0 : i32
        %sign3A_671 = arith.cmpi sgt, %scan3A_665, %sign3A_670 : i32
        %sign3A_672 = arith.extui %sign3A_671 : i1 to i32
        %sign3A_673 = arith.constant 0 : i32
        %sign3A_674 = arith.cmpi slt, %scan3A_665, %sign3A_673 : i32
        %sign3A_675 = arith.extui %sign3A_674 : i1 to i32
        %sign3A_676 = arith.subi %sign3A_672, %sign3A_675 : i32
        %sign3A_677 = arith.constant 0 : i32
        %sign3A_678 = arith.cmpi sgt, %jit3A_668, %sign3A_677 : i32
        %sign3A_679 = arith.extui %sign3A_678 : i1 to i32
        %sign3A_680 = arith.constant 0 : i32
        %sign3A_681 = arith.cmpi slt, %jit3A_668, %sign3A_680 : i32
        %sign3A_682 = arith.extui %sign3A_681 : i1 to i32
        %sign3A_683 = arith.subi %sign3A_679, %sign3A_682 : i32
        %ne3A_684 = arith.cmpi ne, %sign3A_676, %sign3A_683 : i32
        %rem3A_685 = arith.remsi %scan3A_665, %jit3A_668 : i32
        %ne3A_686 = arith.constant 0 : i32
        %ne3A_687 = arith.cmpi ne, %rem3A_685, %ne3A_686 : i32
        %and3A_688 = arith.andi %ne3A_684, %ne3A_687 : i1
        %sub3A_689 = arith.constant 1 : i32
        %sub3A_690 = arith.subi %div3A_669, %sub3A_689 : i32
        %select_n3A_691 = arith.select %and3A_688, %sub3A_690, %div3A_669 : i32
        %jit3A_692 = arith.constant 8 : i32
        %eq3A_693 = arith.constant 0 : i32
        %eq3A_694 = arith.cmpi eq, %jit3A_692, %eq3A_693 : i32
        %jit3A_695 = arith.constant 1 : i32
        %select_n3A_696 = arith.select %eq3A_694, %jit3A_695, %jit3A_692 : i32
        %rem3A_697 = arith.remsi %scan3A_665, %select_n3A_696 : i32
        %ne3A_698 = arith.constant 0 : i32
        %ne3A_699 = arith.cmpi ne, %rem3A_697, %ne3A_698 : i32
        %lt3A_700 = arith.constant 0 : i32
        %lt3A_701 = arith.cmpi slt, %rem3A_697, %lt3A_700 : i32
        %lt3A_702 = arith.constant 0 : i32
        %lt3A_703 = arith.cmpi slt, %select_n3A_696, %lt3A_702 : i32
        %ne3A_704 = arith.xori %lt3A_701, %lt3A_703 : i1
        %and3A_705 = arith.andi %ne3A_704, %ne3A_699 : i1
        %add3A_706 = arith.addi %rem3A_697, %select_n3A_696 : i32
        %select_n3A_707 = arith.select %and3A_705, %add3A_706, %rem3A_697 : i32
        %mul3A_708 = arith.constant 16 : i32
        %mul3A_709 = arith.muli %select_n3A_707, %mul3A_708 : i32
        %swap3A_710 = arith.index_cast %select_n3A_691 : i32 to index
        %swap3A_711 = arith.index_cast %mul3A_709 : i32 to index
        %swap3A_712 = tpu.vector_load %arg8[%swap3A_710, %swap3A_711] {strides = array<i32>} : memref<8x128xf32, #tpu.memory_space<vmem>>, vector<1x16xf32>,
        %swap3A_713 = vector.shape_cast %swap3A_712 : vector<1x16xf32> to vector<16xf32>
        %swap3A_714 = vector.shape_cast %broadcast_in_dim3A_667 : vector<16xf32> to vector<1x16xf32>
        tpu.vector_store %arg8[%swap3A_710, %swap3A_711], %swap3A_714 {strides = array<i32>} : memref<8x128xf32, #tpu.memory_space<vmem>>, vector<1x16xf32>,
        %scan3A_715 = arith.constant 0 : i32
        %scan3A_716 = arith.constant 2 : i32
        %scan3A_717 = arith.addi %scan3A_621, %scan3A_716 : i32
        %broadcast_in_dim3A_718 = arith.constant 1.000000e+00 : f32
        %broadcast_in_dim3A_719 = vector.broadcast %broadcast_in_dim3A_718 : f32 to vector<16xf32>
        %jit3A_720 = arith.constant 8 : i32
        %div3A_721 = arith.divsi %scan3A_717, %jit3A_720 : i32
        %sign3A_722 = arith.constant 0 : i32
        %sign3A_723 = arith.cmpi sgt, %scan3A_717, %sign3A_722 : i32
        %sign3A_724 = arith.extui %sign3A_723 : i1 to i32
        %sign3A_725 = arith.constant 0 : i32
        %sign3A_726 = arith.cmpi slt, %scan3A_717, %sign3A_725 : i32
        %sign3A_727 = arith.extui %sign3A_726 : i1 to i32
        %sign3A_728 = arith.subi %sign3A_724, %sign3A_727 : i32
        %sign3A_729 = arith.constant 0 : i32
        %sign3A_730 = arith.cmpi sgt, %jit3A_720, %sign3A_729 : i32
        %sign3A_731 = arith.extui %sign3A_730 : i1 to i32
        %sign3A_732 = arith.constant 0 : i32
        %sign3A_733 = arith.cmpi slt, %jit3A_720, %sign3A_732 : i32
        %sign3A_734 = arith.extui %sign3A_733 : i1 to i32
        %sign3A_735 = arith.subi %sign3A_731, %sign3A_734 : i32
        %ne3A_736 = arith.cmpi ne, %sign3A_728, %sign3A_735 : i32
        %rem3A_737 = arith.remsi %scan3A_717, %jit3A_720 : i32
        %ne3A_738 = arith.constant 0 : i32
        %ne3A_739 = arith.cmpi ne, %rem3A_737, %ne3A_738 : i32
        %and3A_740 = arith.andi %ne3A_736, %ne3A_739 : i1
        %sub3A_741 = arith.constant 1 : i32
        %sub3A_742 = arith.subi %div3A_721, %sub3A_741 : i32
        %select_n3A_743 = arith.select %and3A_740, %sub3A_742, %div3A_721 : i32
        %jit3A_744 = arith.constant 8 : i32
        %eq3A_745 = arith.constant 0 : i32
        %eq3A_746 = arith.cmpi eq, %jit3A_744, %eq3A_745 : i32
        %jit3A_747 = arith.constant 1 : i32
        %select_n3A_748 = arith.select %eq3A_746, %jit3A_747, %jit3A_744 : i32
        %rem3A_749 = arith.remsi %scan3A_717, %select_n3A_748 : i32
        %ne3A_750 = arith.constant 0 : i32
        %ne3A_751 = arith.cmpi ne, %rem3A_749, %ne3A_750 : i32
        %lt3A_752 = arith.constant 0 : i32
        %lt3A_753 = arith.cmpi slt, %rem3A_749, %lt3A_752 : i32
        %lt3A_754 = arith.constant 0 : i32
        %lt3A_755 = arith.cmpi slt, %select_n3A_748, %lt3A_754 : i32
        %ne3A_756 = arith.xori %lt3A_753, %lt3A_755 : i1
        %and3A_757 = arith.andi %ne3A_756, %ne3A_751 : i1
        %add3A_758 = arith.addi %rem3A_749, %select_n3A_748 : i32
        %select_n3A_759 = arith.select %and3A_757, %add3A_758, %rem3A_749 : i32
        %mul3A_760 = arith.constant 16 : i32
        %mul3A_761 = arith.muli %select_n3A_759, %mul3A_760 : i32
        %swap3A_762 = arith.index_cast %select_n3A_743 : i32 to index
        %swap3A_763 = arith.index_cast %mul3A_761 : i32 to index
        %swap3A_764 = tpu.vector_load %arg8[%swap3A_762, %swap3A_763] {strides = array<i32>} : memref<8x128xf32, #tpu.memory_space<vmem>>, vector<1x16xf32>,
        %swap3A_765 = vector.shape_cast %swap3A_764 : vector<1x16xf32> to vector<16xf32>
        %swap3A_766 = vector.shape_cast %broadcast_in_dim3A_719 : vector<16xf32> to vector<1x16xf32>
        tpu.vector_store %arg8[%swap3A_762, %swap3A_763], %swap3A_766 {strides = array<i32>} : memref<8x128xf32, #tpu.memory_space<vmem>>, vector<1x16xf32>,
        %scan3A_767 = arith.constant 0 : i32
        %scan3A_768 = arith.constant 3 : i32
        %scan3A_769 = arith.addi %scan3A_621, %scan3A_768 : i32
        %broadcast_in_dim3A_770 = arith.constant 1.000000e+00 : f32
        %broadcast_in_dim3A_771 = vector.broadcast %broadcast_in_dim3A_770 : f32 to vector<16xf32>
        %jit3A_772 = arith.constant 8 : i32
        %div3A_773 = arith.divsi %scan3A_769, %jit3A_772 : i32
        %sign3A_774 = arith.constant 0 : i32
        %sign3A_775 = arith.cmpi sgt, %scan3A_769, %sign3A_774 : i32
        %sign3A_776 = arith.extui %sign3A_775 : i1 to i32
        %sign3A_777 = arith.constant 0 : i32
        %sign3A_778 = arith.cmpi slt, %scan3A_769, %sign3A_777 : i32
        %sign3A_779 = arith.extui %sign3A_778 : i1 to i32
        %sign3A_780 = arith.subi %sign3A_776, %sign3A_779 : i32
        %sign3A_781 = arith.constant 0 : i32
        %sign3A_782 = arith.cmpi sgt, %jit3A_772, %sign3A_781 : i32
        %sign3A_783 = arith.extui %sign3A_782 : i1 to i32
        %sign3A_784 = arith.constant 0 : i32
        %sign3A_785 = arith.cmpi slt, %jit3A_772, %sign3A_784 : i32
        %sign3A_786 = arith.extui %sign3A_785 : i1 to i32
        %sign3A_787 = arith.subi %sign3A_783, %sign3A_786 : i32
        %ne3A_788 = arith.cmpi ne, %sign3A_780, %sign3A_787 : i32
        %rem3A_789 = arith.remsi %scan3A_769, %jit3A_772 : i32
        %ne3A_790 = arith.constant 0 : i32
        %ne3A_791 = arith.cmpi ne, %rem3A_789, %ne3A_790 : i32
        %and3A_792 = arith.andi %ne3A_788, %ne3A_791 : i1
        %sub3A_793 = arith.constant 1 : i32
        %sub3A_794 = arith.subi %div3A_773, %sub3A_793 : i32
        %select_n3A_795 = arith.select %and3A_792, %sub3A_794, %div3A_773 : i32
        %jit3A_796 = arith.constant 8 : i32
        %eq3A_797 = arith.constant 0 : i32
        %eq3A_798 = arith.cmpi eq, %jit3A_796, %eq3A_797 : i32
        %jit3A_799 = arith.constant 1 : i32
        %select_n3A_800 = arith.select %eq3A_798, %jit3A_799, %jit3A_796 : i32
        %rem3A_801 = arith.remsi %scan3A_769, %select_n3A_800 : i32
        %ne3A_802 = arith.constant 0 : i32
        %ne3A_803 = arith.cmpi ne, %rem3A_801, %ne3A_802 : i32
        %lt3A_804 = arith.constant 0 : i32
        %lt3A_805 = arith.cmpi slt, %rem3A_801, %lt3A_804 : i32
        %lt3A_806 = arith.constant 0 : i32
        %lt3A_807 = arith.cmpi slt, %select_n3A_800, %lt3A_806 : i32
        %ne3A_808 = arith.xori %lt3A_805, %lt3A_807 : i1
        %and3A_809 = arith.andi %ne3A_808, %ne3A_803 : i1
        %add3A_810 = arith.addi %rem3A_801, %select_n3A_800 : i32
        %select_n3A_811 = arith.select %and3A_809, %add3A_810, %rem3A_801 : i32
        %mul3A_812 = arith.constant 16 : i32
        %mul3A_813 = arith.muli %select_n3A_811, %mul3A_812 : i32
        %swap3A_814 = arith.index_cast %select_n3A_795 : i32 to index
        %swap3A_815 = arith.index_cast %mul3A_813 : i32 to index
        %swap3A_816 = tpu.vector_load %arg8[%swap3A_814, %swap3A_815] {strides = array<i32>} : memref<8x128xf32, #tpu.memory_space<vmem>>, vector<1x16xf32>,
        %swap3A_817 = vector.shape_cast %swap3A_816 : vector<1x16xf32> to vector<16xf32>
        %swap3A_818 = vector.shape_cast %broadcast_in_dim3A_771 : vector<16xf32> to vector<1x16xf32>
        tpu.vector_store %arg8[%swap3A_814, %swap3A_815], %swap3A_818 {strides = array<i32>} : memref<8x128xf32, #tpu.memory_space<vmem>>, vector<1x16xf32>,
        %scan3A_819 = arith.constant 0 : i32
        scf.yield %scan3A_819 : i32
      }
      %scan3A_14 = arith.constant 64 : i32
      tpu.wait_dma2 semaphore(%arg15 : memref<!tpu.dma_semaphore, #tpu.memory_space<semaphore_mem>>) src(%arg3 : memref<8x128xi32, #tpu.memory_space<hbm>>) dst(%arg5 : memref<8x128xi32, #tpu.memory_space<vmem>>)
      tpu.wait_dma2 semaphore(%arg16 : memref<!tpu.dma_semaphore, #tpu.memory_space<semaphore_mem>>) src(%arg10 : memref<1024xf32, #tpu.memory_space<vmem>>) dst(%arg14 : memref<1024xf32, #tpu.memory_space<vmem_shared>>)
      %dma_start3A = arith.constant 0 : i32
      %dma_start3A_15 = arith.constant 0 : i32
      %dma_start3A_16 = arith.constant 0 : i32
      %dma_start3A_17 = tpu.memref_slice %arg8[%dma_start3A, %dma_start3A_16] : memref<8x128xf32, #tpu.memory_space<vmem>> -> memref<1x128xf32, #tpu.memory_space<vmem>>
      %dma_start3A_18 = tpu.memref_squeeze %dma_start3A_17 : memref<1x128xf32, #tpu.memory_space<vmem>> -> memref<128xf32, #tpu.memory_space<vmem>>
      %dma_start3A_19 = arith.constant 0 : i32
      %dma_start3A_20 = tpu.memref_slice %arg5[%dma_start3A_15, %dma_start3A_19] : memref<8x128xi32, #tpu.memory_space<vmem>> -> memref<1x128xi32, #tpu.memory_space<vmem>>
      %dma_start3A_21 = tpu.memref_squeeze %dma_start3A_20 : memref<1x128xi32, #tpu.memory_space<vmem>> -> memref<128xi32, #tpu.memory_space<vmem>>
      %dma_start3A_22 = arith.constant 0 : i32
      %dma_start3A_23 = tpu.memref_slice %arg14[%dma_start3A_22] : memref<1024xf32, #tpu.memory_space<vmem_shared>> -> memref<1024xf32, #tpu.memory_space<vmem_shared>>
      tpu.enqueue_indirect_dma source(%dma_start3A_18 : memref<128xf32, #tpu.memory_space<vmem>>) target(%dma_start3A_23 : memref<1024xf32, #tpu.memory_space<vmem_shared>>) offsets(%dma_start3A_21 : memref<128xi32, #tpu.memory_space<vmem>>) semaphore(%arg16 : memref<!tpu.dma_semaphore, #tpu.memory_space<semaphore_mem>>) {add = true}
      %dma_start3A_24 = arith.constant 1 : i32
      %dma_start3A_25 = arith.constant 1 : i32
      %dma_start3A_26 = arith.constant 0 : i32
      %dma_start3A_27 = tpu.memref_slice %arg8[%dma_start3A_24, %dma_start3A_26] : memref<8x128xf32, #tpu.memory_space<vmem>> -> memref<1x128xf32, #tpu.memory_space<vmem>>
      %dma_start3A_28 = tpu.memref_squeeze %dma_start3A_27 : memref<1x128xf32, #tpu.memory_space<vmem>> -> memref<128xf32, #tpu.memory_space<vmem>>
      %dma_start3A_29 = arith.constant 0 : i32
      %dma_start3A_30 = tpu.memref_slice %arg5[%dma_start3A_25, %dma_start3A_29] : memref<8x128xi32, #tpu.memory_space<vmem>> -> memref<1x128xi32, #tpu.memory_space<vmem>>
      %dma_start3A_31 = tpu.memref_squeeze %dma_start3A_30 : memref<1x128xi32, #tpu.memory_space<vmem>> -> memref<128xi32, #tpu.memory_space<vmem>>
      %dma_start3A_32 = arith.constant 0 : i32
      %dma_start3A_33 = tpu.memref_slice %arg14[%dma_start3A_32] : memref<1024xf32, #tpu.memory_space<vmem_shared>> -> memref<1024xf32, #tpu.memory_space<vmem_shared>>
      tpu.enqueue_indirect_dma source(%dma_start3A_28 : memref<128xf32, #tpu.memory_space<vmem>>) target(%dma_start3A_33 : memref<1024xf32, #tpu.memory_space<vmem_shared>>) offsets(%dma_start3A_31 : memref<128xi32, #tpu.memory_space<vmem>>) semaphore(%arg16 : memref<!tpu.dma_semaphore, #tpu.memory_space<semaphore_mem>>) {add = true}
      %dma_start3A_34 = arith.constant 2 : i32
      %dma_start3A_35 = arith.constant 2 : i32
      %dma_start3A_36 = arith.constant 0 : i32
      %dma_start3A_37 = tpu.memref_slice %arg8[%dma_start3A_34, %dma_start3A_36] : memref<8x128xf32, #tpu.memory_space<vmem>> -> memref<1x128xf32, #tpu.memory_space<vmem>>
      %dma_start3A_38 = tpu.memref_squeeze %dma_start3A_37 : memref<1x128xf32, #tpu.memory_space<vmem>> -> memref<128xf32, #tpu.memory_space<vmem>>
      %dma_start3A_39 = arith.constant 0 : i32
      %dma_start3A_40 = tpu.memref_slice %arg5[%dma_start3A_35, %dma_start3A_39] : memref<8x128xi32, #tpu.memory_space<vmem>> -> memref<1x128xi32, #tpu.memory_space<vmem>>
      %dma_start3A_41 = tpu.memref_squeeze %dma_start3A_40 : memref<1x128xi32, #tpu.memory_space<vmem>> -> memref<128xi32, #tpu.memory_space<vmem>>
      %dma_start3A_42 = arith.constant 0 : i32
      %dma_start3A_43 = tpu.memref_slice %arg14[%dma_start3A_42] : memref<1024xf32, #tpu.memory_space<vmem_shared>> -> memref<1024xf32, #tpu.memory_space<vmem_shared>>
      tpu.enqueue_indirect_dma source(%dma_start3A_38 : memref<128xf32, #tpu.memory_space<vmem>>) target(%dma_start3A_43 : memref<1024xf32, #tpu.memory_space<vmem_shared>>) offsets(%dma_start3A_41 : memref<128xi32, #tpu.memory_space<vmem>>) semaphore(%arg16 : memref<!tpu.dma_semaphore, #tpu.memory_space<semaphore_mem>>) {add = true}
      %dma_start3A_44 = arith.constant 3 : i32
      %dma_start3A_45 = arith.constant 3 : i32
      %dma_start3A_46 = arith.constant 0 : i32
      %dma_start3A_47 = tpu.memref_slice %arg8[%dma_start3A_44, %dma_start3A_46] : memref<8x128xf32, #tpu.memory_space<vmem>> -> memref<1x128xf32, #tpu.memory_space<vmem>>
      %dma_start3A_48 = tpu.memref_squeeze %dma_start3A_47 : memref<1x128xf32, #tpu.memory_space<vmem>> -> memref<128xf32, #tpu.memory_space<vmem>>
      %dma_start3A_49 = arith.constant 0 : i32
      %dma_start3A_50 = tpu.memref_slice %arg5[%dma_start3A_45, %dma_start3A_49] : memref<8x128xi32, #tpu.memory_space<vmem>> -> memref<1x128xi32, #tpu.memory_space<vmem>>
      %dma_start3A_51 = tpu.memref_squeeze %dma_start3A_50 : memref<1x128xi32, #tpu.memory_space<vmem>> -> memref<128xi32, #tpu.memory_space<vmem>>
      %dma_start3A_52 = arith.constant 0 : i32
      %dma_start3A_53 = tpu.memref_slice %arg14[%dma_start3A_52] : memref<1024xf32, #tpu.memory_space<vmem_shared>> -> memref<1024xf32, #tpu.memory_space<vmem_shared>>
      tpu.enqueue_indirect_dma source(%dma_start3A_48 : memref<128xf32, #tpu.memory_space<vmem>>) target(%dma_start3A_53 : memref<1024xf32, #tpu.memory_space<vmem_shared>>) offsets(%dma_start3A_51 : memref<128xi32, #tpu.memory_space<vmem>>) semaphore(%arg16 : memref<!tpu.dma_semaphore, #tpu.memory_space<semaphore_mem>>) {add = true}
      %dma_start3A_54 = arith.constant 4 : i32
      %dma_start3A_55 = arith.constant 4 : i32
      %dma_start3A_56 = arith.constant 0 : i32
      %dma_start3A_57 = tpu.memref_slice %arg8[%dma_start3A_54, %dma_start3A_56] : memref<8x128xf32, #tpu.memory_space<vmem>> -> memref<1x128xf32, #tpu.memory_space<vmem>>
      %dma_start3A_58 = tpu.memref_squeeze %dma_start3A_57 : memref<1x128xf32, #tpu.memory_space<vmem>> -> memref<128xf32, #tpu.memory_space<vmem>>
      %dma_start3A_59 = arith.constant 0 : i32
      %dma_start3A_60 = tpu.memref_slice %arg5[%dma_start3A_55, %dma_start3A_59] : memref<8x128xi32, #tpu.memory_space<vmem>> -> memref<1x128xi32, #tpu.memory_space<vmem>>
      %dma_start3A_61 = tpu.memref_squeeze %dma_start3A_60 : memref<1x128xi32, #tpu.memory_space<vmem>> -> memref<128xi32, #tpu.memory_space<vmem>>
      %dma_start3A_62 = arith.constant 0 : i32
      %dma_start3A_63 = tpu.memref_slice %arg14[%dma_start3A_62] : memref<1024xf32, #tpu.memory_space<vmem_shared>> -> memref<1024xf32, #tpu.memory_space<vmem_shared>>
      tpu.enqueue_indirect_dma source(%dma_start3A_58 : memref<128xf32, #tpu.memory_space<vmem>>) target(%dma_start3A_63 : memref<1024xf32, #tpu.memory_space<vmem_shared>>) offsets(%dma_start3A_61 : memref<128xi32, #tpu.memory_space<vmem>>) semaphore(%arg16 : memref<!tpu.dma_semaphore, #tpu.memory_space<semaphore_mem>>) {add = true}
      %dma_start3A_64 = arith.constant 5 : i32
      %dma_start3A_65 = arith.constant 5 : i32
      %dma_start3A_66 = arith.constant 0 : i32
      %dma_start3A_67 = tpu.memref_slice %arg8[%dma_start3A_64, %dma_start3A_66] : memref<8x128xf32, #tpu.memory_space<vmem>> -> memref<1x128xf32, #tpu.memory_space<vmem>>
      %dma_start3A_68 = tpu.memref_squeeze %dma_start3A_67 : memref<1x128xf32, #tpu.memory_space<vmem>> -> memref<128xf32, #tpu.memory_space<vmem>>
      %dma_start3A_69 = arith.constant 0 : i32
      %dma_start3A_70 = tpu.memref_slice %arg5[%dma_start3A_65, %dma_start3A_69] : memref<8x128xi32, #tpu.memory_space<vmem>> -> memref<1x128xi32, #tpu.memory_space<vmem>>
      %dma_start3A_71 = tpu.memref_squeeze %dma_start3A_70 : memref<1x128xi32, #tpu.memory_space<vmem>> -> memref<128xi32, #tpu.memory_space<vmem>>
      %dma_start3A_72 = arith.constant 0 : i32
      %dma_start3A_73 = tpu.memref_slice %arg14[%dma_start3A_72] : memref<1024xf32, #tpu.memory_space<vmem_shared>> -> memref<1024xf32, #tpu.memory_space<vmem_shared>>
      tpu.enqueue_indirect_dma source(%dma_start3A_68 : memref<128xf32, #tpu.memory_space<vmem>>) target(%dma_start3A_73 : memref<1024xf32, #tpu.memory_space<vmem_shared>>) offsets(%dma_start3A_71 : memref<128xi32, #tpu.memory_space<vmem>>) semaphore(%arg16 : memref<!tpu.dma_semaphore, #tpu.memory_space<semaphore_mem>>) {add = true}
      %dma_start3A_74 = arith.constant 6 : i32
      %dma_start3A_75 = arith.constant 6 : i32
      %dma_start3A_76 = arith.constant 0 : i32
      %dma_start3A_77 = tpu.memref_slice %arg8[%dma_start3A_74, %dma_start3A_76] : memref<8x128xf32, #tpu.memory_space<vmem>> -> memref<1x128xf32, #tpu.memory_space<vmem>>
      %dma_start3A_78 = tpu.memref_squeeze %dma_start3A_77 : memref<1x128xf32, #tpu.memory_space<vmem>> -> memref<128xf32, #tpu.memory_space<vmem>>
      %dma_start3A_79 = arith.constant 0 : i32
      %dma_start3A_80 = tpu.memref_slice %arg5[%dma_start3A_75, %dma_start3A_79] : memref<8x128xi32, #tpu.memory_space<vmem>> -> memref<1x128xi32, #tpu.memory_space<vmem>>
      %dma_start3A_81 = tpu.memref_squeeze %dma_start3A_80 : memref<1x128xi32, #tpu.memory_space<vmem>> -> memref<128xi32, #tpu.memory_space<vmem>>
      %dma_start3A_82 = arith.constant 0 : i32
      %dma_start3A_83 = tpu.memref_slice %arg14[%dma_start3A_82] : memref<1024xf32, #tpu.memory_space<vmem_shared>> -> memref<1024xf32, #tpu.memory_space<vmem_shared>>
      tpu.enqueue_indirect_dma source(%dma_start3A_78 : memref<128xf32, #tpu.memory_space<vmem>>) target(%dma_start3A_83 : memref<1024xf32, #tpu.memory_space<vmem_shared>>) offsets(%dma_start3A_81 : memref<128xi32, #tpu.memory_space<vmem>>) semaphore(%arg16 : memref<!tpu.dma_semaphore, #tpu.memory_space<semaphore_mem>>) {add = true}
      %dma_start3A_84 = arith.constant 7 : i32
      %dma_start3A_85 = arith.constant 7 : i32
      %dma_start3A_86 = arith.constant 0 : i32
      %dma_start3A_87 = tpu.memref_slice %arg8[%dma_start3A_84, %dma_start3A_86] : memref<8x128xf32, #tpu.memory_space<vmem>> -> memref<1x128xf32, #tpu.memory_space<vmem>>
      %dma_start3A_88 = tpu.memref_squeeze %dma_start3A_87 : memref<1x128xf32, #tpu.memory_space<vmem>> -> memref<128xf32, #tpu.memory_space<vmem>>
      %dma_start3A_89 = arith.constant 0 : i32
      %dma_start3A_90 = tpu.memref_slice %arg5[%dma_start3A_85, %dma_start3A_89] : memref<8x128xi32, #tpu.memory_space<vmem>> -> memref<1x128xi32, #tpu.memory_space<vmem>>
      %dma_start3A_91 = tpu.memref_squeeze %dma_start3A_90 : memref<1x128xi32, #tpu.memory_space<vmem>> -> memref<128xi32, #tpu.memory_space<vmem>>
      %dma_start3A_92 = arith.constant 0 : i32
      %dma_start3A_93 = tpu.memref_slice %arg14[%dma_start3A_92] : memref<1024xf32, #tpu.memory_space<vmem_shared>> -> memref<1024xf32, #tpu.memory_space<vmem_shared>>
      tpu.enqueue_indirect_dma source(%dma_start3A_88 : memref<128xf32, #tpu.memory_space<vmem>>) target(%dma_start3A_93 : memref<1024xf32, #tpu.memory_space<vmem_shared>>) offsets(%dma_start3A_91 : memref<128xi32, #tpu.memory_space<vmem>>) semaphore(%arg16 : memref<!tpu.dma_semaphore, #tpu.memory_space<semaphore_mem>>) {add = true}
      %iota3A = tpu.iota {dimensions = array<i32: 0>} : vector<16xi32>
      %scan3A_94 = arith.constant 0 : i32
      %scan3A_95 = arith.constant 0 : i32
      %scan3A_96 = arith.constant 64 : i32
      %scan3A_97 = arith.addi %scan3A_95, %scan3A_96 : i32
      %scan3A_98 = arith.constant 4 : i32
      %scan3A_99 = scf.for %scan3A_621 = %scan3A_95 to %scan3A_97 step %scan3A_98 iter_args(%scan3A_622 = %scan3A_94) -> (i32)  : i32 {
        %jit3A = arith.constant 8 : i32
        %div3A_623 = arith.divsi %scan3A_621, %jit3A : i32
        %sign3A = arith.constant 0 : i32
        %sign3A_624 = arith.cmpi sgt, %scan3A_621, %sign3A : i32
        %sign3A_625 = arith.extui %sign3A_624 : i1 to i32
        %sign3A_626 = arith.constant 0 : i32
        %sign3A_627 = arith.cmpi slt, %scan3A_621, %sign3A_626 : i32
        %sign3A_628 = arith.extui %sign3A_627 : i1 to i32
        %sign3A_629 = arith.subi %sign3A_625, %sign3A_628 : i32
        %sign3A_630 = arith.constant 0 : i32
        %sign3A_631 = arith.cmpi sgt, %jit3A, %sign3A_630 : i32
        %sign3A_632 = arith.extui %sign3A_631 : i1 to i32
        %sign3A_633 = arith.constant 0 : i32
        %sign3A_634 = arith.cmpi slt, %jit3A, %sign3A_633 : i32
        %sign3A_635 = arith.extui %sign3A_634 : i1 to i32
        %sign3A_636 = arith.subi %sign3A_632, %sign3A_635 : i32
        %ne3A = arith.cmpi ne, %sign3A_629, %sign3A_636 : i32
        %rem3A = arith.remsi %scan3A_621, %jit3A : i32
        %ne3A_637 = arith.constant 0 : i32
        %ne3A_638 = arith.cmpi ne, %rem3A, %ne3A_637 : i32
        %and3A = arith.andi %ne3A, %ne3A_638 : i1
        %sub3A = arith.constant 1 : i32
        %sub3A_639 = arith.subi %div3A_623, %sub3A : i32
        %select_n3A = arith.select %and3A, %sub3A_639, %div3A_623 : i32
        %jit3A_640 = arith.constant 8 : i32
        %eq3A_641 = arith.constant 0 : i32
        %eq3A_642 = arith.cmpi eq, %jit3A_640, %eq3A_641 : i32
        %jit3A_643 = arith.constant 1 : i32
        %select_n3A_644 = arith.select %eq3A_642, %jit3A_643, %jit3A_640 : i32
        %rem3A_645 = arith.remsi %scan3A_621, %select_n3A_644 : i32
        %ne3A_646 = arith.constant 0 : i32
        %ne3A_647 = arith.cmpi ne, %rem3A_645, %ne3A_646 : i32
        %lt3A = arith.constant 0 : i32
        %lt3A_648 = arith.cmpi slt, %rem3A_645, %lt3A : i32
        %lt3A_649 = arith.constant 0 : i32
        %lt3A_650 = arith.cmpi slt, %select_n3A_644, %lt3A_649 : i32
        %ne3A_651 = arith.xori %lt3A_648, %lt3A_650 : i1
        %and3A_652 = arith.andi %ne3A_651, %ne3A_647 : i1
        %add3A_653 = arith.addi %rem3A_645, %select_n3A_644 : i32
        %select_n3A_654 = arith.select %and3A_652, %add3A_653, %rem3A_645 : i32
        %mul3A = arith.constant 16 : i32
        %mul3A_655 = arith.muli %select_n3A_654, %mul3A : i32
        %get3A = arith.index_cast %select_n3A : i32 to index
        %get3A_656 = arith.index_cast %mul3A_655 : i32 to index
        %get3A_657 = tpu.vector_load %arg5[%get3A, %get3A_656] {strides = array<i32>} : memref<8x128xi32, #tpu.memory_space<vmem>>, vector<1x16xi32>,
        %get3A_658 = vector.shape_cast %get3A_657 : vector<1x16xi32> to vector<16xi32>
        %mul3A_659 = arith.constant 1000 : i32
        %mul3A_660 = vector.broadcast %mul3A_659 : i32 to vector<16xi32>
        %mul3A_661 = arith.muli %iota3A, %mul3A_660 : vector<16xi32>
        %add3A_662 = arith.addi %get3A_658, %mul3A_661 : vector<16xi32>
        %mul3A_663 = arith.constant 16 : i32
        %mul3A_664 = arith.muli %scan3A_621, %mul3A_663 : i32
        %mul3A_665 = arith.constant 1000 : i32
        %mul3A_666 = arith.muli %mul3A_664, %mul3A_665 : i32
        %add3A_667 = vector.broadcast %mul3A_666 : i32 to vector<16xi32>
        %add3A_668 = arith.addi %add3A_662, %add3A_667 : vector<16xi32>
        %swap3A_669 = arith.index_cast %select_n3A : i32 to index
        %swap3A_670 = arith.index_cast %mul3A_655 : i32 to index
        %swap3A_671 = tpu.vector_load %arg6[%swap3A_669, %swap3A_670] {strides = array<i32>} : memref<8x128xi32, #tpu.memory_space<vmem>>, vector<1x16xi32>,
        %swap3A_672 = vector.shape_cast %swap3A_671 : vector<1x16xi32> to vector<16xi32>
        %swap3A_673 = vector.shape_cast %add3A_668 : vector<16xi32> to vector<1x16xi32>
        tpu.vector_store %arg6[%swap3A_669, %swap3A_670], %swap3A_673 {strides = array<i32>} : memref<8x128xi32, #tpu.memory_space<vmem>>, vector<1x16xi32>,
        %scan3A_674 = arith.constant 0 : i32
        %scan3A_675 = arith.constant 1 : i32
        %scan3A_676 = arith.addi %scan3A_621, %scan3A_675 : i32
        %jit3A_677 = arith.constant 8 : i32
        %div3A_678 = arith.divsi %scan3A_676, %jit3A_677 : i32
        %sign3A_679 = arith.constant 0 : i32
        %sign3A_680 = arith.cmpi sgt, %scan3A_676, %sign3A_679 : i32
        %sign3A_681 = arith.extui %sign3A_680 : i1 to i32
        %sign3A_682 = arith.constant 0 : i32
        %sign3A_683 = arith.cmpi slt, %scan3A_676, %sign3A_682 : i32
        %sign3A_684 = arith.extui %sign3A_683 : i1 to i32
        %sign3A_685 = arith.subi %sign3A_681, %sign3A_684 : i32
        %sign3A_686 = arith.constant 0 : i32
        %sign3A_687 = arith.cmpi sgt, %jit3A_677, %sign3A_686 : i32
        %sign3A_688 = arith.extui %sign3A_687 : i1 to i32
        %sign3A_689 = arith.constant 0 : i32
        %sign3A_690 = arith.cmpi slt, %jit3A_677, %sign3A_689 : i32
        %sign3A_691 = arith.extui %sign3A_690 : i1 to i32
        %sign3A_692 = arith.subi %sign3A_688, %sign3A_691 : i32
        %ne3A_693 = arith.cmpi ne, %sign3A_685, %sign3A_692 : i32
        %rem3A_694 = arith.remsi %scan3A_676, %jit3A_677 : i32
        %ne3A_695 = arith.constant 0 : i32
        %ne3A_696 = arith.cmpi ne, %rem3A_694, %ne3A_695 : i32
        %and3A_697 = arith.andi %ne3A_693, %ne3A_696 : i1
        %sub3A_698 = arith.constant 1 : i32
        %sub3A_699 = arith.subi %div3A_678, %sub3A_698 : i32
        %select_n3A_700 = arith.select %and3A_697, %sub3A_699, %div3A_678 : i32
        %jit3A_701 = arith.constant 8 : i32
        %eq3A_702 = arith.constant 0 : i32
        %eq3A_703 = arith.cmpi eq, %jit3A_701, %eq3A_702 : i32
        %jit3A_704 = arith.constant 1 : i32
        %select_n3A_705 = arith.select %eq3A_703, %jit3A_704, %jit3A_701 : i32
        %rem3A_706 = arith.remsi %scan3A_676, %select_n3A_705 : i32
        %ne3A_707 = arith.constant 0 : i32
        %ne3A_708 = arith.cmpi ne, %rem3A_706, %ne3A_707 : i32
        %lt3A_709 = arith.constant 0 : i32
        %lt3A_710 = arith.cmpi slt, %rem3A_706, %lt3A_709 : i32
        %lt3A_711 = arith.constant 0 : i32
        %lt3A_712 = arith.cmpi slt, %select_n3A_705, %lt3A_711 : i32
        %ne3A_713 = arith.xori %lt3A_710, %lt3A_712 : i1
        %and3A_714 = arith.andi %ne3A_713, %ne3A_708 : i1
        %add3A_715 = arith.addi %rem3A_706, %select_n3A_705 : i32
        %select_n3A_716 = arith.select %and3A_714, %add3A_715, %rem3A_706 : i32
        %mul3A_717 = arith.constant 16 : i32
        %mul3A_718 = arith.muli %select_n3A_716, %mul3A_717 : i32
        %get3A_719 = arith.index_cast %select_n3A_700 : i32 to index
        %get3A_720 = arith.index_cast %mul3A_718 : i32 to index
        %get3A_721 = tpu.vector_load %arg5[%get3A_719, %get3A_720] {strides = array<i32>} : memref<8x128xi32, #tpu.memory_space<vmem>>, vector<1x16xi32>,
        %get3A_722 = vector.shape_cast %get3A_721 : vector<1x16xi32> to vector<16xi32>
        %mul3A_723 = arith.constant 1000 : i32
        %mul3A_724 = vector.broadcast %mul3A_723 : i32 to vector<16xi32>
        %mul3A_725 = arith.muli %iota3A, %mul3A_724 : vector<16xi32>
        %add3A_726 = arith.addi %get3A_722, %mul3A_725 : vector<16xi32>
        %mul3A_727 = arith.constant 16 : i32
        %mul3A_728 = arith.muli %scan3A_676, %mul3A_727 : i32
        %mul3A_729 = arith.constant 1000 : i32
        %mul3A_730 = arith.muli %mul3A_728, %mul3A_729 : i32
        %add3A_731 = vector.broadcast %mul3A_730 : i32 to vector<16xi32>
        %add3A_732 = arith.addi %add3A_726, %add3A_731 : vector<16xi32>
        %swap3A_733 = arith.index_cast %select_n3A_700 : i32 to index
        %swap3A_734 = arith.index_cast %mul3A_718 : i32 to index
        %swap3A_735 = tpu.vector_load %arg6[%swap3A_733, %swap3A_734] {strides = array<i32>} : memref<8x128xi32, #tpu.memory_space<vmem>>, vector<1x16xi32>,
        %swap3A_736 = vector.shape_cast %swap3A_735 : vector<1x16xi32> to vector<16xi32>
        %swap3A_737 = vector.shape_cast %add3A_732 : vector<16xi32> to vector<1x16xi32>
        tpu.vector_store %arg6[%swap3A_733, %swap3A_734], %swap3A_737 {strides = array<i32>} : memref<8x128xi32, #tpu.memory_space<vmem>>, vector<1x16xi32>,
        %scan3A_738 = arith.constant 0 : i32
        %scan3A_739 = arith.constant 2 : i32
        %scan3A_740 = arith.addi %scan3A_621, %scan3A_739 : i32
        %jit3A_741 = arith.constant 8 : i32
        %div3A_742 = arith.divsi %scan3A_740, %jit3A_741 : i32
        %sign3A_743 = arith.constant 0 : i32
        %sign3A_744 = arith.cmpi sgt, %scan3A_740, %sign3A_743 : i32
        %sign3A_745 = arith.extui %sign3A_744 : i1 to i32
        %sign3A_746 = arith.constant 0 : i32
        %sign3A_747 = arith.cmpi slt, %scan3A_740, %sign3A_746 : i32
        %sign3A_748 = arith.extui %sign3A_747 : i1 to i32
        %sign3A_749 = arith.subi %sign3A_745, %sign3A_748 : i32
        %sign3A_750 = arith.constant 0 : i32
        %sign3A_751 = arith.cmpi sgt, %jit3A_741, %sign3A_750 : i32
        %sign3A_752 = arith.extui %sign3A_751 : i1 to i32
        %sign3A_753 = arith.constant 0 : i32
        %sign3A_754 = arith.cmpi slt, %jit3A_741, %sign3A_753 : i32
        %sign3A_755 = arith.extui %sign3A_754 : i1 to i32
        %sign3A_756 = arith.subi %sign3A_752, %sign3A_755 : i32
        %ne3A_757 = arith.cmpi ne, %sign3A_749, %sign3A_756 : i32
        %rem3A_758 = arith.remsi %scan3A_740, %jit3A_741 : i32
        %ne3A_759 = arith.constant 0 : i32
        %ne3A_760 = arith.cmpi ne, %rem3A_758, %ne3A_759 : i32
        %and3A_761 = arith.andi %ne3A_757, %ne3A_760 : i1
        %sub3A_762 = arith.constant 1 : i32
        %sub3A_763 = arith.subi %div3A_742, %sub3A_762 : i32
        %select_n3A_764 = arith.select %and3A_761, %sub3A_763, %div3A_742 : i32
        %jit3A_765 = arith.constant 8 : i32
        %eq3A_766 = arith.constant 0 : i32
        %eq3A_767 = arith.cmpi eq, %jit3A_765, %eq3A_766 : i32
        %jit3A_768 = arith.constant 1 : i32
        %select_n3A_769 = arith.select %eq3A_767, %jit3A_768, %jit3A_765 : i32
        %rem3A_770 = arith.remsi %scan3A_740, %select_n3A_769 : i32
        %ne3A_771 = arith.constant 0 : i32
        %ne3A_772 = arith.cmpi ne, %rem3A_770, %ne3A_771 : i32
        %lt3A_773 = arith.constant 0 : i32
        %lt3A_774 = arith.cmpi slt, %rem3A_770, %lt3A_773 : i32
        %lt3A_775 = arith.constant 0 : i32
        %lt3A_776 = arith.cmpi slt, %select_n3A_769, %lt3A_775 : i32
        %ne3A_777 = arith.xori %lt3A_774, %lt3A_776 : i1
        %and3A_778 = arith.andi %ne3A_777, %ne3A_772 : i1
        %add3A_779 = arith.addi %rem3A_770, %select_n3A_769 : i32
        %select_n3A_780 = arith.select %and3A_778, %add3A_779, %rem3A_770 : i32
        %mul3A_781 = arith.constant 16 : i32
        %mul3A_782 = arith.muli %select_n3A_780, %mul3A_781 : i32
        %get3A_783 = arith.index_cast %select_n3A_764 : i32 to index
        %get3A_784 = arith.index_cast %mul3A_782 : i32 to index
        %get3A_785 = tpu.vector_load %arg5[%get3A_783, %get3A_784] {strides = array<i32>} : memref<8x128xi32, #tpu.memory_space<vmem>>, vector<1x16xi32>,
        %get3A_786 = vector.shape_cast %get3A_785 : vector<1x16xi32> to vector<16xi32>
        %mul3A_787 = arith.constant 1000 : i32
        %mul3A_788 = vector.broadcast %mul3A_787 : i32 to vector<16xi32>
        %mul3A_789 = arith.muli %iota3A, %mul3A_788 : vector<16xi32>
        %add3A_790 = arith.addi %get3A_786, %mul3A_789 : vector<16xi32>
        %mul3A_791 = arith.constant 16 : i32
        %mul3A_792 = arith.muli %scan3A_740, %mul3A_791 : i32
        %mul3A_793 = arith.constant 1000 : i32
        %mul3A_794 = arith.muli %mul3A_792, %mul3A_793 : i32
        %add3A_795 = vector.broadcast %mul3A_794 : i32 to vector<16xi32>
        %add3A_796 = arith.addi %add3A_790, %add3A_795 : vector<16xi32>
        %swap3A_797 = arith.index_cast %select_n3A_764 : i32 to index
        %swap3A_798 = arith.index_cast %mul3A_782 : i32 to index
        %swap3A_799 = tpu.vector_load %arg6[%swap3A_797, %swap3A_798] {strides = array<i32>} : memref<8x128xi32, #tpu.memory_space<vmem>>, vector<1x16xi32>,
        %swap3A_800 = vector.shape_cast %swap3A_799 : vector<1x16xi32> to vector<16xi32>
        %swap3A_801 = vector.shape_cast %add3A_796 : vector<16xi32> to vector<1x16xi32>
        tpu.vector_store %arg6[%swap3A_797, %swap3A_798], %swap3A_801 {strides = array<i32>} : memref<8x128xi32, #tpu.memory_space<vmem>>, vector<1x16xi32>,
        %scan3A_802 = arith.constant 0 : i32
        %scan3A_803 = arith.constant 3 : i32
        %scan3A_804 = arith.addi %scan3A_621, %scan3A_803 : i32
        %jit3A_805 = arith.constant 8 : i32
        %div3A_806 = arith.divsi %scan3A_804, %jit3A_805 : i32
        %sign3A_807 = arith.constant 0 : i32
        %sign3A_808 = arith.cmpi sgt, %scan3A_804, %sign3A_807 : i32
        %sign3A_809 = arith.extui %sign3A_808 : i1 to i32
        %sign3A_810 = arith.constant 0 : i32
        %sign3A_811 = arith.cmpi slt, %scan3A_804, %sign3A_810 : i32
        %sign3A_812 = arith.extui %sign3A_811 : i1 to i32
        %sign3A_813 = arith.subi %sign3A_809, %sign3A_812 : i32
        %sign3A_814 = arith.constant 0 : i32
        %sign3A_815 = arith.cmpi sgt, %jit3A_805, %sign3A_814 : i32
        %sign3A_816 = arith.extui %sign3A_815 : i1 to i32
        %sign3A_817 = arith.constant 0 : i32
        %sign3A_818 = arith.cmpi slt, %jit3A_805, %sign3A_817 : i32
        %sign3A_819 = arith.extui %sign3A_818 : i1 to i32
        %sign3A_820 = arith.subi %sign3A_816, %sign3A_819 : i32
        %ne3A_821 = arith.cmpi ne, %sign3A_813, %sign3A_820 : i32
        %rem3A_822 = arith.remsi %scan3A_804, %jit3A_805 : i32
        %ne3A_823 = arith.constant 0 : i32
        %ne3A_824 = arith.cmpi ne, %rem3A_822, %ne3A_823 : i32
        %and3A_825 = arith.andi %ne3A_821, %ne3A_824 : i1
        %sub3A_826 = arith.constant 1 : i32
        %sub3A_827 = arith.subi %div3A_806, %sub3A_826 : i32
        %select_n3A_828 = arith.select %and3A_825, %sub3A_827, %div3A_806 : i32
        %jit3A_829 = arith.constant 8 : i32
        %eq3A_830 = arith.constant 0 : i32
        %eq3A_831 = arith.cmpi eq, %jit3A_829, %eq3A_830 : i32
        %jit3A_832 = arith.constant 1 : i32
        %select_n3A_833 = arith.select %eq3A_831, %jit3A_832, %jit3A_829 : i32
        %rem3A_834 = arith.remsi %scan3A_804, %select_n3A_833 : i32
        %ne3A_835 = arith.constant 0 : i32
        %ne3A_836 = arith.cmpi ne, %rem3A_834, %ne3A_835 : i32
        %lt3A_837 = arith.constant 0 : i32
        %lt3A_838 = arith.cmpi slt, %rem3A_834, %lt3A_837 : i32
        %lt3A_839 = arith.constant 0 : i32
        %lt3A_840 = arith.cmpi slt, %select_n3A_833, %lt3A_839 : i32
        %ne3A_841 = arith.xori %lt3A_838, %lt3A_840 : i1
        %and3A_842 = arith.andi %ne3A_841, %ne3A_836 : i1
        %add3A_843 = arith.addi %rem3A_834, %select_n3A_833 : i32
        %select_n3A_844 = arith.select %and3A_842, %add3A_843, %rem3A_834 : i32
        %mul3A_845 = arith.constant 16 : i32
        %mul3A_846 = arith.muli %select_n3A_844, %mul3A_845 : i32
        %get3A_847 = arith.index_cast %select_n3A_828 : i32 to index
        %get3A_848 = arith.index_cast %mul3A_846 : i32 to index
        %get3A_849 = tpu.vector_load %arg5[%get3A_847, %get3A_848] {strides = array<i32>} : memref<8x128xi32, #tpu.memory_space<vmem>>, vector<1x16xi32>,
        %get3A_850 = vector.shape_cast %get3A_849 : vector<1x16xi32> to vector<16xi32>
        %mul3A_851 = arith.constant 1000 : i32
        %mul3A_852 = vector.broadcast %mul3A_851 : i32 to vector<16xi32>
        %mul3A_853 = arith.muli %iota3A, %mul3A_852 : vector<16xi32>
        %add3A_854 = arith.addi %get3A_850, %mul3A_853 : vector<16xi32>
        %mul3A_855 = arith.constant 16 : i32
        %mul3A_856 = arith.muli %scan3A_804, %mul3A_855 : i32
        %mul3A_857 = arith.constant 1000 : i32
        %mul3A_858 = arith.muli %mul3A_856, %mul3A_857 : i32
        %add3A_859 = vector.broadcast %mul3A_858 : i32 to vector<16xi32>
        %add3A_860 = arith.addi %add3A_854, %add3A_859 : vector<16xi32>
        %swap3A_861 = arith.index_cast %select_n3A_828 : i32 to index
        %swap3A_862 = arith.index_cast %mul3A_846 : i32 to index
        %swap3A_863 = tpu.vector_load %arg6[%swap3A_861, %swap3A_862] {strides = array<i32>} : memref<8x128xi32, #tpu.memory_space<vmem>>, vector<1x16xi32>,
        %swap3A_864 = vector.shape_cast %swap3A_863 : vector<1x16xi32> to vector<16xi32>
        %swap3A_865 = vector.shape_cast %add3A_860 : vector<16xi32> to vector<1x16xi32>
        tpu.vector_store %arg6[%swap3A_861, %swap3A_862], %swap3A_865 {strides = array<i32>} : memref<8x128xi32, #tpu.memory_space<vmem>>, vector<1x16xi32>,
        %scan3A_866 = arith.constant 0 : i32
        scf.yield %scan3A_866 : i32
      }
      %scan3A_100 = arith.constant 64 : i32
      %dma_start3A_101 = arith.constant 0 : i32
      %dma_start3A_102 = arith.constant 0 : i32
      %dma_start3A_103 = arith.constant 0 : i32
      %dma_start3A_104 = tpu.memref_slice %arg7[%dma_start3A_102, %dma_start3A_103] : memref<8x128xf32, #tpu.memory_space<vmem>> -> memref<1x128xf32, #tpu.memory_space<vmem>>
      %dma_start3A_105 = tpu.memref_squeeze %dma_start3A_104 : memref<1x128xf32, #tpu.memory_space<vmem>> -> memref<128xf32, #tpu.memory_space<vmem>>
      %dma_start3A_106 = arith.constant 0 : i32
      %dma_start3A_107 = tpu.memref_slice %arg6[%dma_start3A_101, %dma_start3A_106] : memref<8x128xi32, #tpu.memory_space<vmem>> -> memref<1x128xi32, #tpu.memory_space<vmem>>
      %dma_start3A_108 = tpu.memref_squeeze %dma_start3A_107 : memref<1x128xi32, #tpu.memory_space<vmem>> -> memref<128xi32, #tpu.memory_space<vmem>>
      %dma_start3A_109 = arith.constant 0 : i32
      %dma_start3A_110 = tpu.memref_slice %arg2[%dma_start3A_109] : memref<1024000xf32, #tpu.memory_space<hbm>> -> memref<1024000xf32, #tpu.memory_space<hbm>>
      tpu.enqueue_indirect_dma source(%dma_start3A_110 : memref<1024000xf32, #tpu.memory_space<hbm>>) target(%dma_start3A_105 : memref<128xf32, #tpu.memory_space<vmem>>) offsets(%dma_start3A_108 : memref<128xi32, #tpu.memory_space<vmem>>) semaphore(%arg15 : memref<!tpu.dma_semaphore, #tpu.memory_space<semaphore_mem>>)
      %dma_start3A_111 = arith.constant 1 : i32
      %dma_start3A_112 = arith.constant 1 : i32
      %dma_start3A_113 = arith.constant 0 : i32
      %dma_start3A_114 = tpu.memref_slice %arg7[%dma_start3A_112, %dma_start3A_113] : memref<8x128xf32, #tpu.memory_space<vmem>> -> memref<1x128xf32, #tpu.memory_space<vmem>>
      %dma_start3A_115 = tpu.memref_squeeze %dma_start3A_114 : memref<1x128xf32, #tpu.memory_space<vmem>> -> memref<128xf32, #tpu.memory_space<vmem>>
      %dma_start3A_116 = arith.constant 0 : i32
      %dma_start3A_117 = tpu.memref_slice %arg6[%dma_start3A_111, %dma_start3A_116] : memref<8x128xi32, #tpu.memory_space<vmem>> -> memref<1x128xi32, #tpu.memory_space<vmem>>
      %dma_start3A_118 = tpu.memref_squeeze %dma_start3A_117 : memref<1x128xi32, #tpu.memory_space<vmem>> -> memref<128xi32, #tpu.memory_space<vmem>>
      %dma_start3A_119 = arith.constant 0 : i32
      %dma_start3A_120 = tpu.memref_slice %arg2[%dma_start3A_119] : memref<1024000xf32, #tpu.memory_space<hbm>> -> memref<1024000xf32, #tpu.memory_space<hbm>>
      tpu.enqueue_indirect_dma source(%dma_start3A_120 : memref<1024000xf32, #tpu.memory_space<hbm>>) target(%dma_start3A_115 : memref<128xf32, #tpu.memory_space<vmem>>) offsets(%dma_start3A_118 : memref<128xi32, #tpu.memory_space<vmem>>) semaphore(%arg15 : memref<!tpu.dma_semaphore, #tpu.memory_space<semaphore_mem>>)
      %dma_start3A_121 = arith.constant 2 : i32
      %dma_start3A_122 = arith.constant 2 : i32
      %dma_start3A_123 = arith.constant 0 : i32
      %dma_start3A_124 = tpu.memref_slice %arg7[%dma_start3A_122, %dma_start3A_123] : memref<8x128xf32, #tpu.memory_space<vmem>> -> memref<1x128xf32, #tpu.memory_space<vmem>>
      %dma_start3A_125 = tpu.memref_squeeze %dma_start3A_124 : memref<1x128xf32, #tpu.memory_space<vmem>> -> memref<128xf32, #tpu.memory_space<vmem>>
      %dma_start3A_126 = arith.constant 0 : i32
      %dma_start3A_127 = tpu.memref_slice %arg6[%dma_start3A_121, %dma_start3A_126] : memref<8x128xi32, #tpu.memory_space<vmem>> -> memref<1x128xi32, #tpu.memory_space<vmem>>
      %dma_start3A_128 = tpu.memref_squeeze %dma_start3A_127 : memref<1x128xi32, #tpu.memory_space<vmem>> -> memref<128xi32, #tpu.memory_space<vmem>>
      %dma_start3A_129 = arith.constant 0 : i32
      %dma_start3A_130 = tpu.memref_slice %arg2[%dma_start3A_129] : memref<1024000xf32, #tpu.memory_space<hbm>> -> memref<1024000xf32, #tpu.memory_space<hbm>>
      tpu.enqueue_indirect_dma source(%dma_start3A_130 : memref<1024000xf32, #tpu.memory_space<hbm>>) target(%dma_start3A_125 : memref<128xf32, #tpu.memory_space<vmem>>) offsets(%dma_start3A_128 : memref<128xi32, #tpu.memory_space<vmem>>) semaphore(%arg15 : memref<!tpu.dma_semaphore, #tpu.memory_space<semaphore_mem>>)
      %dma_start3A_131 = arith.constant 3 : i32
      %dma_start3A_132 = arith.constant 3 : i32
      %dma_start3A_133 = arith.constant 0 : i32
      %dma_start3A_134 = tpu.memref_slice %arg7[%dma_start3A_132, %dma_start3A_133] : memref<8x128xf32, #tpu.memory_space<vmem>> -> memref<1x128xf32, #tpu.memory_space<vmem>>
      %dma_start3A_135 = tpu.memref_squeeze %dma_start3A_134 : memref<1x128xf32, #tpu.memory_space<vmem>> -> memref<128xf32, #tpu.memory_space<vmem>>
      %dma_start3A_136 = arith.constant 0 : i32
      %dma_start3A_137 = tpu.memref_slice %arg6[%dma_start3A_131, %dma_start3A_136] : memref<8x128xi32, #tpu.memory_space<vmem>> -> memref<1x128xi32, #tpu.memory_space<vmem>>
      %dma_start3A_138 = tpu.memref_squeeze %dma_start3A_137 : memref<1x128xi32, #tpu.memory_space<vmem>> -> memref<128xi32, #tpu.memory_space<vmem>>
      %dma_start3A_139 = arith.constant 0 : i32
      %dma_start3A_140 = tpu.memref_slice %arg2[%dma_start3A_139] : memref<1024000xf32, #tpu.memory_space<hbm>> -> memref<1024000xf32, #tpu.memory_space<hbm>>
      tpu.enqueue_indirect_dma source(%dma_start3A_140 : memref<1024000xf32, #tpu.memory_space<hbm>>) target(%dma_start3A_135 : memref<128xf32, #tpu.memory_space<vmem>>) offsets(%dma_start3A_138 : memref<128xi32, #tpu.memory_space<vmem>>) semaphore(%arg15 : memref<!tpu.dma_semaphore, #tpu.memory_space<semaphore_mem>>)
      %dma_start3A_141 = arith.constant 4 : i32
      %dma_start3A_142 = arith.constant 4 : i32
      %dma_start3A_143 = arith.constant 0 : i32
      %dma_start3A_144 = tpu.memref_slice %arg7[%dma_start3A_142, %dma_start3A_143] : memref<8x128xf32, #tpu.memory_space<vmem>> -> memref<1x128xf32, #tpu.memory_space<vmem>>
      %dma_start3A_145 = tpu.memref_squeeze %dma_start3A_144 : memref<1x128xf32, #tpu.memory_space<vmem>> -> memref<128xf32, #tpu.memory_space<vmem>>
      %dma_start3A_146 = arith.constant 0 : i32
      %dma_start3A_147 = tpu.memref_slice %arg6[%dma_start3A_141, %dma_start3A_146] : memref<8x128xi32, #tpu.memory_space<vmem>> -> memref<1x128xi32, #tpu.memory_space<vmem>>
      %dma_start3A_148 = tpu.memref_squeeze %dma_start3A_147 : memref<1x128xi32, #tpu.memory_space<vmem>> -> memref<128xi32, #tpu.memory_space<vmem>>
      %dma_start3A_149 = arith.constant 0 : i32
      %dma_start3A_150 = tpu.memref_slice %arg2[%dma_start3A_149] : memref<1024000xf32, #tpu.memory_space<hbm>> -> memref<1024000xf32, #tpu.memory_space<hbm>>
      tpu.enqueue_indirect_dma source(%dma_start3A_150 : memref<1024000xf32, #tpu.memory_space<hbm>>) target(%dma_start3A_145 : memref<128xf32, #tpu.memory_space<vmem>>) offsets(%dma_start3A_148 : memref<128xi32, #tpu.memory_space<vmem>>) semaphore(%arg15 : memref<!tpu.dma_semaphore, #tpu.memory_space<semaphore_mem>>)
      %dma_start3A_151 = arith.constant 5 : i32
      %dma_start3A_152 = arith.constant 5 : i32
      %dma_start3A_153 = arith.constant 0 : i32
      %dma_start3A_154 = tpu.memref_slice %arg7[%dma_start3A_152, %dma_start3A_153] : memref<8x128xf32, #tpu.memory_space<vmem>> -> memref<1x128xf32, #tpu.memory_space<vmem>>
      %dma_start3A_155 = tpu.memref_squeeze %dma_start3A_154 : memref<1x128xf32, #tpu.memory_space<vmem>> -> memref<128xf32, #tpu.memory_space<vmem>>
      %dma_start3A_156 = arith.constant 0 : i32
      %dma_start3A_157 = tpu.memref_slice %arg6[%dma_start3A_151, %dma_start3A_156] : memref<8x128xi32, #tpu.memory_space<vmem>> -> memref<1x128xi32, #tpu.memory_space<vmem>>
      %dma_start3A_158 = tpu.memref_squeeze %dma_start3A_157 : memref<1x128xi32, #tpu.memory_space<vmem>> -> memref<128xi32, #tpu.memory_space<vmem>>
      %dma_start3A_159 = arith.constant 0 : i32
      %dma_start3A_160 = tpu.memref_slice %arg2[%dma_start3A_159] : memref<1024000xf32, #tpu.memory_space<hbm>> -> memref<1024000xf32, #tpu.memory_space<hbm>>
      tpu.enqueue_indirect_dma source(%dma_start3A_160 : memref<1024000xf32, #tpu.memory_space<hbm>>) target(%dma_start3A_155 : memref<128xf32, #tpu.memory_space<vmem>>) offsets(%dma_start3A_158 : memref<128xi32, #tpu.memory_space<vmem>>) semaphore(%arg15 : memref<!tpu.dma_semaphore, #tpu.memory_space<semaphore_mem>>)
      %dma_start3A_161 = arith.constant 6 : i32
      %dma_start3A_162 = arith.constant 6 : i32
      %dma_start3A_163 = arith.constant 0 : i32
      %dma_start3A_164 = tpu.memref_slice %arg7[%dma_start3A_162, %dma_start3A_163] : memref<8x128xf32, #tpu.memory_space<vmem>> -> memref<1x128xf32, #tpu.memory_space<vmem>>
      %dma_start3A_165 = tpu.memref_squeeze %dma_start3A_164 : memref<1x128xf32, #tpu.memory_space<vmem>> -> memref<128xf32, #tpu.memory_space<vmem>>
      %dma_start3A_166 = arith.constant 0 : i32
      %dma_start3A_167 = tpu.memref_slice %arg6[%dma_start3A_161, %dma_start3A_166] : memref<8x128xi32, #tpu.memory_space<vmem>> -> memref<1x128xi32, #tpu.memory_space<vmem>>
      %dma_start3A_168 = tpu.memref_squeeze %dma_start3A_167 : memref<1x128xi32, #tpu.memory_space<vmem>> -> memref<128xi32, #tpu.memory_space<vmem>>
      %dma_start3A_169 = arith.constant 0 : i32
      %dma_start3A_170 = tpu.memref_slice %arg2[%dma_start3A_169] : memref<1024000xf32, #tpu.memory_space<hbm>> -> memref<1024000xf32, #tpu.memory_space<hbm>>
      tpu.enqueue_indirect_dma source(%dma_start3A_170 : memref<1024000xf32, #tpu.memory_space<hbm>>) target(%dma_start3A_165 : memref<128xf32, #tpu.memory_space<vmem>>) offsets(%dma_start3A_168 : memref<128xi32, #tpu.memory_space<vmem>>) semaphore(%arg15 : memref<!tpu.dma_semaphore, #tpu.memory_space<semaphore_mem>>)
      %dma_start3A_171 = arith.constant 7 : i32
      %dma_start3A_172 = arith.constant 7 : i32
      %dma_start3A_173 = arith.constant 0 : i32
      %dma_start3A_174 = tpu.memref_slice %arg7[%dma_start3A_172, %dma_start3A_173] : memref<8x128xf32, #tpu.memory_space<vmem>> -> memref<1x128xf32, #tpu.memory_space<vmem>>
      %dma_start3A_175 = tpu.memref_squeeze %dma_start3A_174 : memref<1x128xf32, #tpu.memory_space<vmem>> -> memref<128xf32, #tpu.memory_space<vmem>>
      %dma_start3A_176 = arith.constant 0 : i32
      %dma_start3A_177 = tpu.memref_slice %arg6[%dma_start3A_171, %dma_start3A_176] : memref<8x128xi32, #tpu.memory_space<vmem>> -> memref<1x128xi32, #tpu.memory_space<vmem>>
      %dma_start3A_178 = tpu.memref_squeeze %dma_start3A_177 : memref<1x128xi32, #tpu.memory_space<vmem>> -> memref<128xi32, #tpu.memory_space<vmem>>
      %dma_start3A_179 = arith.constant 0 : i32
      %dma_start3A_180 = tpu.memref_slice %arg2[%dma_start3A_179] : memref<1024000xf32, #tpu.memory_space<hbm>> -> memref<1024000xf32, #tpu.memory_space<hbm>>
      tpu.enqueue_indirect_dma source(%dma_start3A_180 : memref<1024000xf32, #tpu.memory_space<hbm>>) target(%dma_start3A_175 : memref<128xf32, #tpu.memory_space<vmem>>) offsets(%dma_start3A_178 : memref<128xi32, #tpu.memory_space<vmem>>) semaphore(%arg15 : memref<!tpu.dma_semaphore, #tpu.memory_space<semaphore_mem>>)
      %dma_wait3A = arith.constant 0 : i32
      %dma_wait3A_181 = arith.constant 0 : i32
      %dma_wait3A_182 = arith.constant 0 : i32
      %dma_wait3A_183 = tpu.memref_slice %arg8[%dma_wait3A, %dma_wait3A_182] : memref<8x128xf32, #tpu.memory_space<vmem>> -> memref<1x128xf32, #tpu.memory_space<vmem>>
      %dma_wait3A_184 = tpu.memref_squeeze %dma_wait3A_183 : memref<1x128xf32, #tpu.memory_space<vmem>> -> memref<128xf32, #tpu.memory_space<vmem>>
      %dma_wait3A_185 = arith.constant 0 : i32
      %dma_wait3A_186 = tpu.memref_slice %arg5[%dma_wait3A_181, %dma_wait3A_185] : memref<8x128xi32, #tpu.memory_space<vmem>> -> memref<1x128xi32, #tpu.memory_space<vmem>>
      %dma_wait3A_187 = tpu.memref_squeeze %dma_wait3A_186 : memref<1x128xi32, #tpu.memory_space<vmem>> -> memref<128xi32, #tpu.memory_space<vmem>>
      %dma_wait3A_188 = arith.constant 0 : i32
      %dma_wait3A_189 = tpu.memref_slice %arg14[%dma_wait3A_188] : memref<1024xf32, #tpu.memory_space<vmem_shared>> -> memref<1024xf32, #tpu.memory_space<vmem_shared>>
      tpu.wait_indirect_dma semaphore(%arg16 : memref<!tpu.dma_semaphore, #tpu.memory_space<semaphore_mem>>) src(%dma_wait3A_184 : memref<128xf32, #tpu.memory_space<vmem>>) dst(%dma_wait3A_189 : memref<1024xf32, #tpu.memory_space<vmem_shared>>)
      %dma_wait3A_190 = arith.constant 1 : i32
      %dma_wait3A_191 = arith.constant 1 : i32
      %dma_wait3A_192 = arith.constant 0 : i32
      %dma_wait3A_193 = tpu.memref_slice %arg8[%dma_wait3A_190, %dma_wait3A_192] : memref<8x128xf32, #tpu.memory_space<vmem>> -> memref<1x128xf32, #tpu.memory_space<vmem>>
      %dma_wait3A_194 = tpu.memref_squeeze %dma_wait3A_193 : memref<1x128xf32, #tpu.memory_space<vmem>> -> memref<128xf32, #tpu.memory_space<vmem>>
      %dma_wait3A_195 = arith.constant 0 : i32
      %dma_wait3A_196 = tpu.memref_slice %arg5[%dma_wait3A_191, %dma_wait3A_195] : memref<8x128xi32, #tpu.memory_space<vmem>> -> memref<1x128xi32, #tpu.memory_space<vmem>>
      %dma_wait3A_197 = tpu.memref_squeeze %dma_wait3A_196 : memref<1x128xi32, #tpu.memory_space<vmem>> -> memref<128xi32, #tpu.memory_space<vmem>>
      %dma_wait3A_198 = arith.constant 0 : i32
      %dma_wait3A_199 = tpu.memref_slice %arg14[%dma_wait3A_198] : memref<1024xf32, #tpu.memory_space<vmem_shared>> -> memref<1024xf32, #tpu.memory_space<vmem_shared>>
      tpu.wait_indirect_dma semaphore(%arg16 : memref<!tpu.dma_semaphore, #tpu.memory_space<semaphore_mem>>) src(%dma_wait3A_194 : memref<128xf32, #tpu.memory_space<vmem>>) dst(%dma_wait3A_199 : memref<1024xf32, #tpu.memory_space<vmem_shared>>)
      %dma_wait3A_200 = arith.constant 2 : i32
      %dma_wait3A_201 = arith.constant 2 : i32
      %dma_wait3A_202 = arith.constant 0 : i32
      %dma_wait3A_203 = tpu.memref_slice %arg8[%dma_wait3A_200, %dma_wait3A_202] : memref<8x128xf32, #tpu.memory_space<vmem>> -> memref<1x128xf32, #tpu.memory_space<vmem>>
      %dma_wait3A_204 = tpu.memref_squeeze %dma_wait3A_203 : memref<1x128xf32, #tpu.memory_space<vmem>> -> memref<128xf32, #tpu.memory_space<vmem>>
      %dma_wait3A_205 = arith.constant 0 : i32
      %dma_wait3A_206 = tpu.memref_slice %arg5[%dma_wait3A_201, %dma_wait3A_205] : memref<8x128xi32, #tpu.memory_space<vmem>> -> memref<1x128xi32, #tpu.memory_space<vmem>>
      %dma_wait3A_207 = tpu.memref_squeeze %dma_wait3A_206 : memref<1x128xi32, #tpu.memory_space<vmem>> -> memref<128xi32, #tpu.memory_space<vmem>>
      %dma_wait3A_208 = arith.constant 0 : i32
      %dma_wait3A_209 = tpu.memref_slice %arg14[%dma_wait3A_208] : memref<1024xf32, #tpu.memory_space<vmem_shared>> -> memref<1024xf32, #tpu.memory_space<vmem_shared>>
      tpu.wait_indirect_dma semaphore(%arg16 : memref<!tpu.dma_semaphore, #tpu.memory_space<semaphore_mem>>) src(%dma_wait3A_204 : memref<128xf32, #tpu.memory_space<vmem>>) dst(%dma_wait3A_209 : memref<1024xf32, #tpu.memory_space<vmem_shared>>)
      %dma_wait3A_210 = arith.constant 3 : i32
      %dma_wait3A_211 = arith.constant 3 : i32
      %dma_wait3A_212 = arith.constant 0 : i32
      %dma_wait3A_213 = tpu.memref_slice %arg8[%dma_wait3A_210, %dma_wait3A_212] : memref<8x128xf32, #tpu.memory_space<vmem>> -> memref<1x128xf32, #tpu.memory_space<vmem>>
      %dma_wait3A_214 = tpu.memref_squeeze %dma_wait3A_213 : memref<1x128xf32, #tpu.memory_space<vmem>> -> memref<128xf32, #tpu.memory_space<vmem>>
      %dma_wait3A_215 = arith.constant 0 : i32
      %dma_wait3A_216 = tpu.memref_slice %arg5[%dma_wait3A_211, %dma_wait3A_215] : memref<8x128xi32, #tpu.memory_space<vmem>> -> memref<1x128xi32, #tpu.memory_space<vmem>>
      %dma_wait3A_217 = tpu.memref_squeeze %dma_wait3A_216 : memref<1x128xi32, #tpu.memory_space<vmem>> -> memref<128xi32, #tpu.memory_space<vmem>>
      %dma_wait3A_218 = arith.constant 0 : i32
      %dma_wait3A_219 = tpu.memref_slice %arg14[%dma_wait3A_218] : memref<1024xf32, #tpu.memory_space<vmem_shared>> -> memref<1024xf32, #tpu.memory_space<vmem_shared>>
      tpu.wait_indirect_dma semaphore(%arg16 : memref<!tpu.dma_semaphore, #tpu.memory_space<semaphore_mem>>) src(%dma_wait3A_214 : memref<128xf32, #tpu.memory_space<vmem>>) dst(%dma_wait3A_219 : memref<1024xf32, #tpu.memory_space<vmem_shared>>)
      %dma_wait3A_220 = arith.constant 4 : i32
      %dma_wait3A_221 = arith.constant 4 : i32
      %dma_wait3A_222 = arith.constant 0 : i32
      %dma_wait3A_223 = tpu.memref_slice %arg8[%dma_wait3A_220, %dma_wait3A_222] : memref<8x128xf32, #tpu.memory_space<vmem>> -> memref<1x128xf32, #tpu.memory_space<vmem>>
      %dma_wait3A_224 = tpu.memref_squeeze %dma_wait3A_223 : memref<1x128xf32, #tpu.memory_space<vmem>> -> memref<128xf32, #tpu.memory_space<vmem>>
      %dma_wait3A_225 = arith.constant 0 : i32
      %dma_wait3A_226 = tpu.memref_slice %arg5[%dma_wait3A_221, %dma_wait3A_225] : memref<8x128xi32, #tpu.memory_space<vmem>> -> memref<1x128xi32, #tpu.memory_space<vmem>>
      %dma_wait3A_227 = tpu.memref_squeeze %dma_wait3A_226 : memref<1x128xi32, #tpu.memory_space<vmem>> -> memref<128xi32, #tpu.memory_space<vmem>>
      %dma_wait3A_228 = arith.constant 0 : i32
      %dma_wait3A_229 = tpu.memref_slice %arg14[%dma_wait3A_228] : memref<1024xf32, #tpu.memory_space<vmem_shared>> -> memref<1024xf32, #tpu.memory_space<vmem_shared>>
      tpu.wait_indirect_dma semaphore(%arg16 : memref<!tpu.dma_semaphore, #tpu.memory_space<semaphore_mem>>) src(%dma_wait3A_224 : memref<128xf32, #tpu.memory_space<vmem>>) dst(%dma_wait3A_229 : memref<1024xf32, #tpu.memory_space<vmem_shared>>)
      %dma_wait3A_230 = arith.constant 5 : i32
      %dma_wait3A_231 = arith.constant 5 : i32
      %dma_wait3A_232 = arith.constant 0 : i32
      %dma_wait3A_233 = tpu.memref_slice %arg8[%dma_wait3A_230, %dma_wait3A_232] : memref<8x128xf32, #tpu.memory_space<vmem>> -> memref<1x128xf32, #tpu.memory_space<vmem>>
      %dma_wait3A_234 = tpu.memref_squeeze %dma_wait3A_233 : memref<1x128xf32, #tpu.memory_space<vmem>> -> memref<128xf32, #tpu.memory_space<vmem>>
      %dma_wait3A_235 = arith.constant 0 : i32
      %dma_wait3A_236 = tpu.memref_slice %arg5[%dma_wait3A_231, %dma_wait3A_235] : memref<8x128xi32, #tpu.memory_space<vmem>> -> memref<1x128xi32, #tpu.memory_space<vmem>>
      %dma_wait3A_237 = tpu.memref_squeeze %dma_wait3A_236 : memref<1x128xi32, #tpu.memory_space<vmem>> -> memref<128xi32, #tpu.memory_space<vmem>>
      %dma_wait3A_238 = arith.constant 0 : i32
      %dma_wait3A_239 = tpu.memref_slice %arg14[%dma_wait3A_238] : memref<1024xf32, #tpu.memory_space<vmem_shared>> -> memref<1024xf32, #tpu.memory_space<vmem_shared>>
      tpu.wait_indirect_dma semaphore(%arg16 : memref<!tpu.dma_semaphore, #tpu.memory_space<semaphore_mem>>) src(%dma_wait3A_234 : memref<128xf32, #tpu.memory_space<vmem>>) dst(%dma_wait3A_239 : memref<1024xf32, #tpu.memory_space<vmem_shared>>)
      %dma_wait3A_240 = arith.constant 6 : i32
      %dma_wait3A_241 = arith.constant 6 : i32
      %dma_wait3A_242 = arith.constant 0 : i32
      %dma_wait3A_243 = tpu.memref_slice %arg8[%dma_wait3A_240, %dma_wait3A_242] : memref<8x128xf32, #tpu.memory_space<vmem>> -> memref<1x128xf32, #tpu.memory_space<vmem>>
      %dma_wait3A_244 = tpu.memref_squeeze %dma_wait3A_243 : memref<1x128xf32, #tpu.memory_space<vmem>> -> memref<128xf32, #tpu.memory_space<vmem>>
      %dma_wait3A_245 = arith.constant 0 : i32
      %dma_wait3A_246 = tpu.memref_slice %arg5[%dma_wait3A_241, %dma_wait3A_245] : memref<8x128xi32, #tpu.memory_space<vmem>> -> memref<1x128xi32, #tpu.memory_space<vmem>>
      %dma_wait3A_247 = tpu.memref_squeeze %dma_wait3A_246 : memref<1x128xi32, #tpu.memory_space<vmem>> -> memref<128xi32, #tpu.memory_space<vmem>>
      %dma_wait3A_248 = arith.constant 0 : i32
      %dma_wait3A_249 = tpu.memref_slice %arg14[%dma_wait3A_248] : memref<1024xf32, #tpu.memory_space<vmem_shared>> -> memref<1024xf32, #tpu.memory_space<vmem_shared>>
      tpu.wait_indirect_dma semaphore(%arg16 : memref<!tpu.dma_semaphore, #tpu.memory_space<semaphore_mem>>) src(%dma_wait3A_244 : memref<128xf32, #tpu.memory_space<vmem>>) dst(%dma_wait3A_249 : memref<1024xf32, #tpu.memory_space<vmem_shared>>)
      %dma_wait3A_250 = arith.constant 7 : i32
      %dma_wait3A_251 = arith.constant 7 : i32
      %dma_wait3A_252 = arith.constant 0 : i32
      %dma_wait3A_253 = tpu.memref_slice %arg8[%dma_wait3A_250, %dma_wait3A_252] : memref<8x128xf32, #tpu.memory_space<vmem>> -> memref<1x128xf32, #tpu.memory_space<vmem>>
      %dma_wait3A_254 = tpu.memref_squeeze %dma_wait3A_253 : memref<1x128xf32, #tpu.memory_space<vmem>> -> memref<128xf32, #tpu.memory_space<vmem>>
      %dma_wait3A_255 = arith.constant 0 : i32
      %dma_wait3A_256 = tpu.memref_slice %arg5[%dma_wait3A_251, %dma_wait3A_255] : memref<8x128xi32, #tpu.memory_space<vmem>> -> memref<1x128xi32, #tpu.memory_space<vmem>>
      %dma_wait3A_257 = tpu.memref_squeeze %dma_wait3A_256 : memref<1x128xi32, #tpu.memory_space<vmem>> -> memref<128xi32, #tpu.memory_space<vmem>>
      %dma_wait3A_258 = arith.constant 0 : i32
      %dma_wait3A_259 = tpu.memref_slice %arg14[%dma_wait3A_258] : memref<1024xf32, #tpu.memory_space<vmem_shared>> -> memref<1024xf32, #tpu.memory_space<vmem_shared>>
      tpu.wait_indirect_dma semaphore(%arg16 : memref<!tpu.dma_semaphore, #tpu.memory_space<semaphore_mem>>) src(%dma_wait3A_254 : memref<128xf32, #tpu.memory_space<vmem>>) dst(%dma_wait3A_259 : memref<1024xf32, #tpu.memory_space<vmem_shared>>)
      %broadcast_in_dim3A = arith.constant 0.000000e+00 : f32
      %broadcast_in_dim3A_260 = vector.broadcast %broadcast_in_dim3A : f32 to vector<16xf32>
      %swap3A = arith.constant 0 : index
      %swap3A_261 = tpu.vector_load %arg13[%swap3A] {strides = array<i32>} : memref<16xf32, #tpu.memory_space<vmem>>, vector<16xf32>,
      %swap3A_262 = vector.shape_cast %swap3A_261 : vector<16xf32> to vector<16xf32>
      %swap3A_263 = vector.shape_cast %broadcast_in_dim3A_260 : vector<16xf32> to vector<16xf32>
      tpu.vector_store %arg13[%swap3A], %swap3A_263 {strides = array<i32>} : memref<16xf32, #tpu.memory_space<vmem>>, vector<16xf32>,
      %scan3A_264 = arith.constant 0 : i32
      %scan3A_265 = arith.constant 0 : i32
      %scan3A_266 = arith.constant 24 : i32
      %scan3A_267 = arith.addi %scan3A_265, %scan3A_266 : i32
      %scan3A_268 = arith.constant 1 : i32
      %scan3A_269 = scf.for %scan3A_621 = %scan3A_265 to %scan3A_267 step %scan3A_268 iter_args(%scan3A_622 = %scan3A_264) -> (i32)  : i32 {
        %get3A = arith.constant 0 : index
        %get3A_623 = tpu.vector_load %arg13[%get3A] {strides = array<i32>} : memref<16xf32, #tpu.memory_space<vmem>>, vector<16xf32>,
        %get3A_624 = vector.shape_cast %get3A_623 : vector<16xf32> to vector<16xf32>
        %slice3A_625 = vector.extract_strided_slice %get3A_624 {offsets = [0], sizes = [1], strides = [1]} : vector<16xf32> to vector<1xf32>
        %squeeze3A_626 = vector.extract %slice3A_625[0] : f32 from vector<1xf32>
        %ne3A = arith.constant 1.024000e+03 : f32
        %ne3A_627 = arith.cmpf one, %squeeze3A_626, %ne3A : f32
        %convert_element_type3A_628 = arith.extui %ne3A_627 : i1 to i32
        %cond3A_629 = arith.constant 0 : i32
        %cond3A_630 = arith.cmpi ne, %convert_element_type3A_628, %cond3A_629 : i32
        scf.if %cond3A_630 {
          "tpu.region"() ({
            %run_scoped3A = tpu.sem_alloc : memref<!tpu.dma_semaphore, #tpu.memory_space<semaphore_mem>>
            tpu.enqueue_dma source(%arg14 : memref<1024xf32, #tpu.memory_space<vmem_shared>>) target(%arg11 : memref<1024xf32, #tpu.memory_space<vmem>>) target_semaphore(%run_scoped3A : memref<!tpu.dma_semaphore, #tpu.memory_space<semaphore_mem>>)
            tpu.wait_dma2 semaphore(%run_scoped3A : memref<!tpu.dma_semaphore, #tpu.memory_space<semaphore_mem>>) src(%arg14 : memref<1024xf32, #tpu.memory_space<vmem_shared>>) dst(%arg11 : memref<1024xf32, #tpu.memory_space<vmem>>)
            tpu.yield
          }) : () -> ()
          %broadcast_in_dim3A_632 = arith.constant 0.000000e+00 : f32
          %broadcast_in_dim3A_633 = vector.broadcast %broadcast_in_dim3A_632 : f32 to vector<16xf32>
          %scan3A_634 = arith.constant 0 : i32
          %scan3A_635 = arith.constant 64 : i32
          %scan3A_636 = arith.addi %scan3A_634, %scan3A_635 : i32
          %scan3A_637 = arith.constant 4 : i32
          %scan3A_638 = scf.for %scan3A_692 = %scan3A_634 to %scan3A_636 step %scan3A_637 iter_args(%scan3A_693 = %broadcast_in_dim3A_633) -> (vector<16xf32>)  : i32 {
            %mul3A = arith.constant 16 : i32
            %mul3A_694 = arith.muli %scan3A_692, %mul3A : i32
            %get3A_695 = arith.index_cast %mul3A_694 : i32 to index
            %get3A_696 = tpu.vector_load %arg11[%get3A_695] {strides = array<i32>} : memref<1024xf32, #tpu.memory_space<vmem>>, vector<16xf32>,
            %get3A_697 = vector.shape_cast %get3A_696 : vector<16xf32> to vector<16xf32>
            %add3A_698 = arith.addf %scan3A_693, %get3A_697 : vector<16xf32>
            %scan3A_699 = arith.constant 1 : i32
            %scan3A_700 = arith.addi %scan3A_692, %scan3A_699 : i32
            %mul3A_701 = arith.constant 16 : i32
            %mul3A_702 = arith.muli %scan3A_700, %mul3A_701 : i32
            %get3A_703 = arith.index_cast %mul3A_702 : i32 to index
            %get3A_704 = tpu.vector_load %arg11[%get3A_703] {strides = array<i32>} : memref<1024xf32, #tpu.memory_space<vmem>>, vector<16xf32>,
            %get3A_705 = vector.shape_cast %get3A_704 : vector<16xf32> to vector<16xf32>
            %add3A_706 = arith.addf %add3A_698, %get3A_705 : vector<16xf32>
            %scan3A_707 = arith.constant 2 : i32
            %scan3A_708 = arith.addi %scan3A_692, %scan3A_707 : i32
            %mul3A_709 = arith.constant 16 : i32
            %mul3A_710 = arith.muli %scan3A_708, %mul3A_709 : i32
            %get3A_711 = arith.index_cast %mul3A_710 : i32 to index
            %get3A_712 = tpu.vector_load %arg11[%get3A_711] {strides = array<i32>} : memref<1024xf32, #tpu.memory_space<vmem>>, vector<16xf32>,
            %get3A_713 = vector.shape_cast %get3A_712 : vector<16xf32> to vector<16xf32>
            %add3A_714 = arith.addf %add3A_706, %get3A_713 : vector<16xf32>
            %scan3A_715 = arith.constant 3 : i32
            %scan3A_716 = arith.addi %scan3A_692, %scan3A_715 : i32
            %mul3A_717 = arith.constant 16 : i32
            %mul3A_718 = arith.muli %scan3A_716, %mul3A_717 : i32
            %get3A_719 = arith.index_cast %mul3A_718 : i32 to index
            %get3A_720 = tpu.vector_load %arg11[%get3A_719] {strides = array<i32>} : memref<1024xf32, #tpu.memory_space<vmem>>, vector<16xf32>,
            %get3A_721 = vector.shape_cast %get3A_720 : vector<16xf32> to vector<16xf32>
            %add3A_722 = arith.addf %add3A_714, %get3A_721 : vector<16xf32>
            scf.yield %add3A_722 : vector<16xf32>
          }
          %scan3A_639 = arith.constant 64 : i32
          %slice3A_640 = vector.extract_strided_slice %scan3A_638 {offsets = [0], sizes = [1], strides = [1]} : vector<16xf32> to vector<1xf32>
          %squeeze3A_641 = vector.extract %slice3A_640[0] : f32 from vector<1xf32>
          %slice3A_642 = vector.extract_strided_slice %scan3A_638 {offsets = [1], sizes = [1], strides = [1]} : vector<16xf32> to vector<1xf32>
          %squeeze3A_643 = vector.extract %slice3A_642[0] : f32 from vector<1xf32>
          %add3A_644 = arith.addf %squeeze3A_641, %squeeze3A_643 : f32
          %slice3A_645 = vector.extract_strided_slice %scan3A_638 {offsets = [2], sizes = [1], strides = [1]} : vector<16xf32> to vector<1xf32>
          %squeeze3A_646 = vector.extract %slice3A_645[0] : f32 from vector<1xf32>
          %add3A_647 = arith.addf %add3A_644, %squeeze3A_646 : f32
          %slice3A_648 = vector.extract_strided_slice %scan3A_638 {offsets = [3], sizes = [1], strides = [1]} : vector<16xf32> to vector<1xf32>
          %squeeze3A_649 = vector.extract %slice3A_648[0] : f32 from vector<1xf32>
          %add3A_650 = arith.addf %add3A_647, %squeeze3A_649 : f32
          %slice3A_651 = vector.extract_strided_slice %scan3A_638 {offsets = [4], sizes = [1], strides = [1]} : vector<16xf32> to vector<1xf32>
          %squeeze3A_652 = vector.extract %slice3A_651[0] : f32 from vector<1xf32>
          %add3A_653 = arith.addf %add3A_650, %squeeze3A_652 : f32
          %slice3A_654 = vector.extract_strided_slice %scan3A_638 {offsets = [5], sizes = [1], strides = [1]} : vector<16xf32> to vector<1xf32>
          %squeeze3A_655 = vector.extract %slice3A_654[0] : f32 from vector<1xf32>
          %add3A_656 = arith.addf %add3A_653, %squeeze3A_655 : f32
          %slice3A_657 = vector.extract_strided_slice %scan3A_638 {offsets = [6], sizes = [1], strides = [1]} : vector<16xf32> to vector<1xf32>
          %squeeze3A_658 = vector.extract %slice3A_657[0] : f32 from vector<1xf32>
          %add3A_659 = arith.addf %add3A_656, %squeeze3A_658 : f32
          %slice3A_660 = vector.extract_strided_slice %scan3A_638 {offsets = [7], sizes = [1], strides = [1]} : vector<16xf32> to vector<1xf32>
          %squeeze3A_661 = vector.extract %slice3A_660[0] : f32 from vector<1xf32>
          %add3A_662 = arith.addf %add3A_659, %squeeze3A_661 : f32
          %slice3A_663 = vector.extract_strided_slice %scan3A_638 {offsets = [8], sizes = [1], strides = [1]} : vector<16xf32> to vector<1xf32>
          %squeeze3A_664 = vector.extract %slice3A_663[0] : f32 from vector<1xf32>
          %add3A_665 = arith.addf %add3A_662, %squeeze3A_664 : f32
          %slice3A_666 = vector.extract_strided_slice %scan3A_638 {offsets = [9], sizes = [1], strides = [1]} : vector<16xf32> to vector<1xf32>
          %squeeze3A_667 = vector.extract %slice3A_666[0] : f32 from vector<1xf32>
          %add3A_668 = arith.addf %add3A_665, %squeeze3A_667 : f32
          %slice3A_669 = vector.extract_strided_slice %scan3A_638 {offsets = [10], sizes = [1], strides = [1]} : vector<16xf32> to vector<1xf32>
          %squeeze3A_670 = vector.extract %slice3A_669[0] : f32 from vector<1xf32>
          %add3A_671 = arith.addf %add3A_668, %squeeze3A_670 : f32
          %slice3A_672 = vector.extract_strided_slice %scan3A_638 {offsets = [11], sizes = [1], strides = [1]} : vector<16xf32> to vector<1xf32>
          %squeeze3A_673 = vector.extract %slice3A_672[0] : f32 from vector<1xf32>
          %add3A_674 = arith.addf %add3A_671, %squeeze3A_673 : f32
          %slice3A_675 = vector.extract_strided_slice %scan3A_638 {offsets = [12], sizes = [1], strides = [1]} : vector<16xf32> to vector<1xf32>
          %squeeze3A_676 = vector.extract %slice3A_675[0] : f32 from vector<1xf32>
          %add3A_677 = arith.addf %add3A_674, %squeeze3A_676 : f32
          %slice3A_678 = vector.extract_strided_slice %scan3A_638 {offsets = [13], sizes = [1], strides = [1]} : vector<16xf32> to vector<1xf32>
          %squeeze3A_679 = vector.extract %slice3A_678[0] : f32 from vector<1xf32>
          %add3A_680 = arith.addf %add3A_677, %squeeze3A_679 : f32
          %slice3A_681 = vector.extract_strided_slice %scan3A_638 {offsets = [14], sizes = [1], strides = [1]} : vector<16xf32> to vector<1xf32>
          %squeeze3A_682 = vector.extract %slice3A_681[0] : f32 from vector<1xf32>
          %add3A_683 = arith.addf %add3A_680, %squeeze3A_682 : f32
          %slice3A_684 = vector.extract_strided_slice %scan3A_638 {offsets = [15], sizes = [1], strides = [1]} : vector<16xf32> to vector<1xf32>
          %squeeze3A_685 = vector.extract %slice3A_684[0] : f32 from vector<1xf32>
          %add3A_686 = arith.addf %add3A_683, %squeeze3A_685 : f32
          %broadcast_in_dim3A_687 = vector.broadcast %add3A_686 : f32 to vector<16xf32>
          %swap3A_688 = arith.constant 0 : index
          %swap3A_689 = tpu.vector_load %arg13[%swap3A_688] {strides = array<i32>} : memref<16xf32, #tpu.memory_space<vmem>>, vector<16xf32>,
          %swap3A_690 = vector.shape_cast %swap3A_689 : vector<16xf32> to vector<16xf32>
          %swap3A_691 = vector.shape_cast %broadcast_in_dim3A_687 : vector<16xf32> to vector<16xf32>
          tpu.vector_store %arg13[%swap3A_688], %swap3A_691 {strides = array<i32>} : memref<16xf32, #tpu.memory_space<vmem>>, vector<16xf32>,
        } else {
        }
        %scan3A_631 = arith.constant 0 : i32
        scf.yield %scan3A_631 : i32
      }
      %scan3A_270 = arith.constant 24 : i32
      %dma_start3A_271 = arith.constant 0 : i32
      %dma_start3A_272 = arith.constant 0 : i32
      %dma_start3A_273 = arith.constant 0 : i32
      %dma_start3A_274 = tpu.memref_slice %arg9[%dma_start3A_272, %dma_start3A_273] : memref<8x128xf32, #tpu.memory_space<vmem>> -> memref<1x128xf32, #tpu.memory_space<vmem>>
      %dma_start3A_275 = tpu.memref_squeeze %dma_start3A_274 : memref<1x128xf32, #tpu.memory_space<vmem>> -> memref<128xf32, #tpu.memory_space<vmem>>
      %dma_start3A_276 = arith.constant 0 : i32
      %dma_start3A_277 = tpu.memref_slice %arg5[%dma_start3A_271, %dma_start3A_276] : memref<8x128xi32, #tpu.memory_space<vmem>> -> memref<1x128xi32, #tpu.memory_space<vmem>>
      %dma_start3A_278 = tpu.memref_squeeze %dma_start3A_277 : memref<1x128xi32, #tpu.memory_space<vmem>> -> memref<128xi32, #tpu.memory_space<vmem>>
      %dma_start3A_279 = arith.constant 0 : i32
      %dma_start3A_280 = tpu.memref_slice %arg14[%dma_start3A_279] : memref<1024xf32, #tpu.memory_space<vmem_shared>> -> memref<1024xf32, #tpu.memory_space<vmem_shared>>
      tpu.enqueue_indirect_dma source(%dma_start3A_280 : memref<1024xf32, #tpu.memory_space<vmem_shared>>) target(%dma_start3A_275 : memref<128xf32, #tpu.memory_space<vmem>>) offsets(%dma_start3A_278 : memref<128xi32, #tpu.memory_space<vmem>>) semaphore(%arg17 : memref<!tpu.dma_semaphore, #tpu.memory_space<semaphore_mem>>)
      %dma_start3A_281 = arith.constant 1 : i32
      %dma_start3A_282 = arith.constant 1 : i32
      %dma_start3A_283 = arith.constant 0 : i32
      %dma_start3A_284 = tpu.memref_slice %arg9[%dma_start3A_282, %dma_start3A_283] : memref<8x128xf32, #tpu.memory_space<vmem>> -> memref<1x128xf32, #tpu.memory_space<vmem>>
      %dma_start3A_285 = tpu.memref_squeeze %dma_start3A_284 : memref<1x128xf32, #tpu.memory_space<vmem>> -> memref<128xf32, #tpu.memory_space<vmem>>
      %dma_start3A_286 = arith.constant 0 : i32
      %dma_start3A_287 = tpu.memref_slice %arg5[%dma_start3A_281, %dma_start3A_286] : memref<8x128xi32, #tpu.memory_space<vmem>> -> memref<1x128xi32, #tpu.memory_space<vmem>>
      %dma_start3A_288 = tpu.memref_squeeze %dma_start3A_287 : memref<1x128xi32, #tpu.memory_space<vmem>> -> memref<128xi32, #tpu.memory_space<vmem>>
      %dma_start3A_289 = arith.constant 0 : i32
      %dma_start3A_290 = tpu.memref_slice %arg14[%dma_start3A_289] : memref<1024xf32, #tpu.memory_space<vmem_shared>> -> memref<1024xf32, #tpu.memory_space<vmem_shared>>
      tpu.enqueue_indirect_dma source(%dma_start3A_290 : memref<1024xf32, #tpu.memory_space<vmem_shared>>) target(%dma_start3A_285 : memref<128xf32, #tpu.memory_space<vmem>>) offsets(%dma_start3A_288 : memref<128xi32, #tpu.memory_space<vmem>>) semaphore(%arg17 : memref<!tpu.dma_semaphore, #tpu.memory_space<semaphore_mem>>)
      %dma_start3A_291 = arith.constant 2 : i32
      %dma_start3A_292 = arith.constant 2 : i32
      %dma_start3A_293 = arith.constant 0 : i32
      %dma_start3A_294 = tpu.memref_slice %arg9[%dma_start3A_292, %dma_start3A_293] : memref<8x128xf32, #tpu.memory_space<vmem>> -> memref<1x128xf32, #tpu.memory_space<vmem>>
      %dma_start3A_295 = tpu.memref_squeeze %dma_start3A_294 : memref<1x128xf32, #tpu.memory_space<vmem>> -> memref<128xf32, #tpu.memory_space<vmem>>
      %dma_start3A_296 = arith.constant 0 : i32
      %dma_start3A_297 = tpu.memref_slice %arg5[%dma_start3A_291, %dma_start3A_296] : memref<8x128xi32, #tpu.memory_space<vmem>> -> memref<1x128xi32, #tpu.memory_space<vmem>>
      %dma_start3A_298 = tpu.memref_squeeze %dma_start3A_297 : memref<1x128xi32, #tpu.memory_space<vmem>> -> memref<128xi32, #tpu.memory_space<vmem>>
      %dma_start3A_299 = arith.constant 0 : i32
      %dma_start3A_300 = tpu.memref_slice %arg14[%dma_start3A_299] : memref<1024xf32, #tpu.memory_space<vmem_shared>> -> memref<1024xf32, #tpu.memory_space<vmem_shared>>
      tpu.enqueue_indirect_dma source(%dma_start3A_300 : memref<1024xf32, #tpu.memory_space<vmem_shared>>) target(%dma_start3A_295 : memref<128xf32, #tpu.memory_space<vmem>>) offsets(%dma_start3A_298 : memref<128xi32, #tpu.memory_space<vmem>>) semaphore(%arg17 : memref<!tpu.dma_semaphore, #tpu.memory_space<semaphore_mem>>)
      %dma_start3A_301 = arith.constant 3 : i32
      %dma_start3A_302 = arith.constant 3 : i32
      %dma_start3A_303 = arith.constant 0 : i32
      %dma_start3A_304 = tpu.memref_slice %arg9[%dma_start3A_302, %dma_start3A_303] : memref<8x128xf32, #tpu.memory_space<vmem>> -> memref<1x128xf32, #tpu.memory_space<vmem>>
      %dma_start3A_305 = tpu.memref_squeeze %dma_start3A_304 : memref<1x128xf32, #tpu.memory_space<vmem>> -> memref<128xf32, #tpu.memory_space<vmem>>
      %dma_start3A_306 = arith.constant 0 : i32
      %dma_start3A_307 = tpu.memref_slice %arg5[%dma_start3A_301, %dma_start3A_306] : memref<8x128xi32, #tpu.memory_space<vmem>> -> memref<1x128xi32, #tpu.memory_space<vmem>>
      %dma_start3A_308 = tpu.memref_squeeze %dma_start3A_307 : memref<1x128xi32, #tpu.memory_space<vmem>> -> memref<128xi32, #tpu.memory_space<vmem>>
      %dma_start3A_309 = arith.constant 0 : i32
      %dma_start3A_310 = tpu.memref_slice %arg14[%dma_start3A_309] : memref<1024xf32, #tpu.memory_space<vmem_shared>> -> memref<1024xf32, #tpu.memory_space<vmem_shared>>
      tpu.enqueue_indirect_dma source(%dma_start3A_310 : memref<1024xf32, #tpu.memory_space<vmem_shared>>) target(%dma_start3A_305 : memref<128xf32, #tpu.memory_space<vmem>>) offsets(%dma_start3A_308 : memref<128xi32, #tpu.memory_space<vmem>>) semaphore(%arg17 : memref<!tpu.dma_semaphore, #tpu.memory_space<semaphore_mem>>)
      %dma_start3A_311 = arith.constant 4 : i32
      %dma_start3A_312 = arith.constant 4 : i32
      %dma_start3A_313 = arith.constant 0 : i32
      %dma_start3A_314 = tpu.memref_slice %arg9[%dma_start3A_312, %dma_start3A_313] : memref<8x128xf32, #tpu.memory_space<vmem>> -> memref<1x128xf32, #tpu.memory_space<vmem>>
      %dma_start3A_315 = tpu.memref_squeeze %dma_start3A_314 : memref<1x128xf32, #tpu.memory_space<vmem>> -> memref<128xf32, #tpu.memory_space<vmem>>
      %dma_start3A_316 = arith.constant 0 : i32
      %dma_start3A_317 = tpu.memref_slice %arg5[%dma_start3A_311, %dma_start3A_316] : memref<8x128xi32, #tpu.memory_space<vmem>> -> memref<1x128xi32, #tpu.memory_space<vmem>>
      %dma_start3A_318 = tpu.memref_squeeze %dma_start3A_317 : memref<1x128xi32, #tpu.memory_space<vmem>> -> memref<128xi32, #tpu.memory_space<vmem>>
      %dma_start3A_319 = arith.constant 0 : i32
      %dma_start3A_320 = tpu.memref_slice %arg14[%dma_start3A_319] : memref<1024xf32, #tpu.memory_space<vmem_shared>> -> memref<1024xf32, #tpu.memory_space<vmem_shared>>
      tpu.enqueue_indirect_dma source(%dma_start3A_320 : memref<1024xf32, #tpu.memory_space<vmem_shared>>) target(%dma_start3A_315 : memref<128xf32, #tpu.memory_space<vmem>>) offsets(%dma_start3A_318 : memref<128xi32, #tpu.memory_space<vmem>>) semaphore(%arg17 : memref<!tpu.dma_semaphore, #tpu.memory_space<semaphore_mem>>)
      %dma_start3A_321 = arith.constant 5 : i32
      %dma_start3A_322 = arith.constant 5 : i32
      %dma_start3A_323 = arith.constant 0 : i32
      %dma_start3A_324 = tpu.memref_slice %arg9[%dma_start3A_322, %dma_start3A_323] : memref<8x128xf32, #tpu.memory_space<vmem>> -> memref<1x128xf32, #tpu.memory_space<vmem>>
      %dma_start3A_325 = tpu.memref_squeeze %dma_start3A_324 : memref<1x128xf32, #tpu.memory_space<vmem>> -> memref<128xf32, #tpu.memory_space<vmem>>
      %dma_start3A_326 = arith.constant 0 : i32
      %dma_start3A_327 = tpu.memref_slice %arg5[%dma_start3A_321, %dma_start3A_326] : memref<8x128xi32, #tpu.memory_space<vmem>> -> memref<1x128xi32, #tpu.memory_space<vmem>>
      %dma_start3A_328 = tpu.memref_squeeze %dma_start3A_327 : memref<1x128xi32, #tpu.memory_space<vmem>> -> memref<128xi32, #tpu.memory_space<vmem>>
      %dma_start3A_329 = arith.constant 0 : i32
      %dma_start3A_330 = tpu.memref_slice %arg14[%dma_start3A_329] : memref<1024xf32, #tpu.memory_space<vmem_shared>> -> memref<1024xf32, #tpu.memory_space<vmem_shared>>
      tpu.enqueue_indirect_dma source(%dma_start3A_330 : memref<1024xf32, #tpu.memory_space<vmem_shared>>) target(%dma_start3A_325 : memref<128xf32, #tpu.memory_space<vmem>>) offsets(%dma_start3A_328 : memref<128xi32, #tpu.memory_space<vmem>>) semaphore(%arg17 : memref<!tpu.dma_semaphore, #tpu.memory_space<semaphore_mem>>)
      %dma_start3A_331 = arith.constant 6 : i32
      %dma_start3A_332 = arith.constant 6 : i32
      %dma_start3A_333 = arith.constant 0 : i32
      %dma_start3A_334 = tpu.memref_slice %arg9[%dma_start3A_332, %dma_start3A_333] : memref<8x128xf32, #tpu.memory_space<vmem>> -> memref<1x128xf32, #tpu.memory_space<vmem>>
      %dma_start3A_335 = tpu.memref_squeeze %dma_start3A_334 : memref<1x128xf32, #tpu.memory_space<vmem>> -> memref<128xf32, #tpu.memory_space<vmem>>
      %dma_start3A_336 = arith.constant 0 : i32
      %dma_start3A_337 = tpu.memref_slice %arg5[%dma_start3A_331, %dma_start3A_336] : memref<8x128xi32, #tpu.memory_space<vmem>> -> memref<1x128xi32, #tpu.memory_space<vmem>>
      %dma_start3A_338 = tpu.memref_squeeze %dma_start3A_337 : memref<1x128xi32, #tpu.memory_space<vmem>> -> memref<128xi32, #tpu.memory_space<vmem>>
      %dma_start3A_339 = arith.constant 0 : i32
      %dma_start3A_340 = tpu.memref_slice %arg14[%dma_start3A_339] : memref<1024xf32, #tpu.memory_space<vmem_shared>> -> memref<1024xf32, #tpu.memory_space<vmem_shared>>
      tpu.enqueue_indirect_dma source(%dma_start3A_340 : memref<1024xf32, #tpu.memory_space<vmem_shared>>) target(%dma_start3A_335 : memref<128xf32, #tpu.memory_space<vmem>>) offsets(%dma_start3A_338 : memref<128xi32, #tpu.memory_space<vmem>>) semaphore(%arg17 : memref<!tpu.dma_semaphore, #tpu.memory_space<semaphore_mem>>)
      %dma_start3A_341 = arith.constant 7 : i32
      %dma_start3A_342 = arith.constant 7 : i32
      %dma_start3A_343 = arith.constant 0 : i32
      %dma_start3A_344 = tpu.memref_slice %arg9[%dma_start3A_342, %dma_start3A_343] : memref<8x128xf32, #tpu.memory_space<vmem>> -> memref<1x128xf32, #tpu.memory_space<vmem>>
      %dma_start3A_345 = tpu.memref_squeeze %dma_start3A_344 : memref<1x128xf32, #tpu.memory_space<vmem>> -> memref<128xf32, #tpu.memory_space<vmem>>
      %dma_start3A_346 = arith.constant 0 : i32
      %dma_start3A_347 = tpu.memref_slice %arg5[%dma_start3A_341, %dma_start3A_346] : memref<8x128xi32, #tpu.memory_space<vmem>> -> memref<1x128xi32, #tpu.memory_space<vmem>>
      %dma_start3A_348 = tpu.memref_squeeze %dma_start3A_347 : memref<1x128xi32, #tpu.memory_space<vmem>> -> memref<128xi32, #tpu.memory_space<vmem>>
      %dma_start3A_349 = arith.constant 0 : i32
      %dma_start3A_350 = tpu.memref_slice %arg14[%dma_start3A_349] : memref<1024xf32, #tpu.memory_space<vmem_shared>> -> memref<1024xf32, #tpu.memory_space<vmem_shared>>
      tpu.enqueue_indirect_dma source(%dma_start3A_350 : memref<1024xf32, #tpu.memory_space<vmem_shared>>) target(%dma_start3A_345 : memref<128xf32, #tpu.memory_space<vmem>>) offsets(%dma_start3A_348 : memref<128xi32, #tpu.memory_space<vmem>>) semaphore(%arg17 : memref<!tpu.dma_semaphore, #tpu.memory_space<semaphore_mem>>)
      %dma_wait3A_351 = arith.constant 0 : i32
      %dma_wait3A_352 = arith.constant 0 : i32
      %dma_wait3A_353 = arith.constant 0 : i32
      %dma_wait3A_354 = tpu.memref_slice %arg7[%dma_wait3A_352, %dma_wait3A_353] : memref<8x128xf32, #tpu.memory_space<vmem>> -> memref<1x128xf32, #tpu.memory_space<vmem>>
      %dma_wait3A_355 = tpu.memref_squeeze %dma_wait3A_354 : memref<1x128xf32, #tpu.memory_space<vmem>> -> memref<128xf32, #tpu.memory_space<vmem>>
      %dma_wait3A_356 = arith.constant 0 : i32
      %dma_wait3A_357 = tpu.memref_slice %arg6[%dma_wait3A_351, %dma_wait3A_356] : memref<8x128xi32, #tpu.memory_space<vmem>> -> memref<1x128xi32, #tpu.memory_space<vmem>>
      %dma_wait3A_358 = tpu.memref_squeeze %dma_wait3A_357 : memref<1x128xi32, #tpu.memory_space<vmem>> -> memref<128xi32, #tpu.memory_space<vmem>>
      %dma_wait3A_359 = arith.constant 0 : i32
      %dma_wait3A_360 = tpu.memref_slice %arg2[%dma_wait3A_359] : memref<1024000xf32, #tpu.memory_space<hbm>> -> memref<1024000xf32, #tpu.memory_space<hbm>>
      tpu.wait_indirect_dma semaphore(%arg15 : memref<!tpu.dma_semaphore, #tpu.memory_space<semaphore_mem>>) src(%dma_wait3A_360 : memref<1024000xf32, #tpu.memory_space<hbm>>) dst(%dma_wait3A_355 : memref<128xf32, #tpu.memory_space<vmem>>)
      %dma_wait3A_361 = arith.constant 1 : i32
      %dma_wait3A_362 = arith.constant 1 : i32
      %dma_wait3A_363 = arith.constant 0 : i32
      %dma_wait3A_364 = tpu.memref_slice %arg7[%dma_wait3A_362, %dma_wait3A_363] : memref<8x128xf32, #tpu.memory_space<vmem>> -> memref<1x128xf32, #tpu.memory_space<vmem>>
      %dma_wait3A_365 = tpu.memref_squeeze %dma_wait3A_364 : memref<1x128xf32, #tpu.memory_space<vmem>> -> memref<128xf32, #tpu.memory_space<vmem>>
      %dma_wait3A_366 = arith.constant 0 : i32
      %dma_wait3A_367 = tpu.memref_slice %arg6[%dma_wait3A_361, %dma_wait3A_366] : memref<8x128xi32, #tpu.memory_space<vmem>> -> memref<1x128xi32, #tpu.memory_space<vmem>>
      %dma_wait3A_368 = tpu.memref_squeeze %dma_wait3A_367 : memref<1x128xi32, #tpu.memory_space<vmem>> -> memref<128xi32, #tpu.memory_space<vmem>>
      %dma_wait3A_369 = arith.constant 0 : i32
      %dma_wait3A_370 = tpu.memref_slice %arg2[%dma_wait3A_369] : memref<1024000xf32, #tpu.memory_space<hbm>> -> memref<1024000xf32, #tpu.memory_space<hbm>>
      tpu.wait_indirect_dma semaphore(%arg15 : memref<!tpu.dma_semaphore, #tpu.memory_space<semaphore_mem>>) src(%dma_wait3A_370 : memref<1024000xf32, #tpu.memory_space<hbm>>) dst(%dma_wait3A_365 : memref<128xf32, #tpu.memory_space<vmem>>)
      %dma_wait3A_371 = arith.constant 2 : i32
      %dma_wait3A_372 = arith.constant 2 : i32
      %dma_wait3A_373 = arith.constant 0 : i32
      %dma_wait3A_374 = tpu.memref_slice %arg7[%dma_wait3A_372, %dma_wait3A_373] : memref<8x128xf32, #tpu.memory_space<vmem>> -> memref<1x128xf32, #tpu.memory_space<vmem>>
      %dma_wait3A_375 = tpu.memref_squeeze %dma_wait3A_374 : memref<1x128xf32, #tpu.memory_space<vmem>> -> memref<128xf32, #tpu.memory_space<vmem>>
      %dma_wait3A_376 = arith.constant 0 : i32
      %dma_wait3A_377 = tpu.memref_slice %arg6[%dma_wait3A_371, %dma_wait3A_376] : memref<8x128xi32, #tpu.memory_space<vmem>> -> memref<1x128xi32, #tpu.memory_space<vmem>>
      %dma_wait3A_378 = tpu.memref_squeeze %dma_wait3A_377 : memref<1x128xi32, #tpu.memory_space<vmem>> -> memref<128xi32, #tpu.memory_space<vmem>>
      %dma_wait3A_379 = arith.constant 0 : i32
      %dma_wait3A_380 = tpu.memref_slice %arg2[%dma_wait3A_379] : memref<1024000xf32, #tpu.memory_space<hbm>> -> memref<1024000xf32, #tpu.memory_space<hbm>>
      tpu.wait_indirect_dma semaphore(%arg15 : memref<!tpu.dma_semaphore, #tpu.memory_space<semaphore_mem>>) src(%dma_wait3A_380 : memref<1024000xf32, #tpu.memory_space<hbm>>) dst(%dma_wait3A_375 : memref<128xf32, #tpu.memory_space<vmem>>)
      %dma_wait3A_381 = arith.constant 3 : i32
      %dma_wait3A_382 = arith.constant 3 : i32
      %dma_wait3A_383 = arith.constant 0 : i32
      %dma_wait3A_384 = tpu.memref_slice %arg7[%dma_wait3A_382, %dma_wait3A_383] : memref<8x128xf32, #tpu.memory_space<vmem>> -> memref<1x128xf32, #tpu.memory_space<vmem>>
      %dma_wait3A_385 = tpu.memref_squeeze %dma_wait3A_384 : memref<1x128xf32, #tpu.memory_space<vmem>> -> memref<128xf32, #tpu.memory_space<vmem>>
      %dma_wait3A_386 = arith.constant 0 : i32
      %dma_wait3A_387 = tpu.memref_slice %arg6[%dma_wait3A_381, %dma_wait3A_386] : memref<8x128xi32, #tpu.memory_space<vmem>> -> memref<1x128xi32, #tpu.memory_space<vmem>>
      %dma_wait3A_388 = tpu.memref_squeeze %dma_wait3A_387 : memref<1x128xi32, #tpu.memory_space<vmem>> -> memref<128xi32, #tpu.memory_space<vmem>>
      %dma_wait3A_389 = arith.constant 0 : i32
      %dma_wait3A_390 = tpu.memref_slice %arg2[%dma_wait3A_389] : memref<1024000xf32, #tpu.memory_space<hbm>> -> memref<1024000xf32, #tpu.memory_space<hbm>>
      tpu.wait_indirect_dma semaphore(%arg15 : memref<!tpu.dma_semaphore, #tpu.memory_space<semaphore_mem>>) src(%dma_wait3A_390 : memref<1024000xf32, #tpu.memory_space<hbm>>) dst(%dma_wait3A_385 : memref<128xf32, #tpu.memory_space<vmem>>)
      %dma_wait3A_391 = arith.constant 4 : i32
      %dma_wait3A_392 = arith.constant 4 : i32
      %dma_wait3A_393 = arith.constant 0 : i32
      %dma_wait3A_394 = tpu.memref_slice %arg7[%dma_wait3A_392, %dma_wait3A_393] : memref<8x128xf32, #tpu.memory_space<vmem>> -> memref<1x128xf32, #tpu.memory_space<vmem>>
      %dma_wait3A_395 = tpu.memref_squeeze %dma_wait3A_394 : memref<1x128xf32, #tpu.memory_space<vmem>> -> memref<128xf32, #tpu.memory_space<vmem>>
      %dma_wait3A_396 = arith.constant 0 : i32
      %dma_wait3A_397 = tpu.memref_slice %arg6[%dma_wait3A_391, %dma_wait3A_396] : memref<8x128xi32, #tpu.memory_space<vmem>> -> memref<1x128xi32, #tpu.memory_space<vmem>>
      %dma_wait3A_398 = tpu.memref_squeeze %dma_wait3A_397 : memref<1x128xi32, #tpu.memory_space<vmem>> -> memref<128xi32, #tpu.memory_space<vmem>>
      %dma_wait3A_399 = arith.constant 0 : i32
      %dma_wait3A_400 = tpu.memref_slice %arg2[%dma_wait3A_399] : memref<1024000xf32, #tpu.memory_space<hbm>> -> memref<1024000xf32, #tpu.memory_space<hbm>>
      tpu.wait_indirect_dma semaphore(%arg15 : memref<!tpu.dma_semaphore, #tpu.memory_space<semaphore_mem>>) src(%dma_wait3A_400 : memref<1024000xf32, #tpu.memory_space<hbm>>) dst(%dma_wait3A_395 : memref<128xf32, #tpu.memory_space<vmem>>)
      %dma_wait3A_401 = arith.constant 5 : i32
      %dma_wait3A_402 = arith.constant 5 : i32
      %dma_wait3A_403 = arith.constant 0 : i32
      %dma_wait3A_404 = tpu.memref_slice %arg7[%dma_wait3A_402, %dma_wait3A_403] : memref<8x128xf32, #tpu.memory_space<vmem>> -> memref<1x128xf32, #tpu.memory_space<vmem>>
      %dma_wait3A_405 = tpu.memref_squeeze %dma_wait3A_404 : memref<1x128xf32, #tpu.memory_space<vmem>> -> memref<128xf32, #tpu.memory_space<vmem>>
      %dma_wait3A_406 = arith.constant 0 : i32
      %dma_wait3A_407 = tpu.memref_slice %arg6[%dma_wait3A_401, %dma_wait3A_406] : memref<8x128xi32, #tpu.memory_space<vmem>> -> memref<1x128xi32, #tpu.memory_space<vmem>>
      %dma_wait3A_408 = tpu.memref_squeeze %dma_wait3A_407 : memref<1x128xi32, #tpu.memory_space<vmem>> -> memref<128xi32, #tpu.memory_space<vmem>>
      %dma_wait3A_409 = arith.constant 0 : i32
      %dma_wait3A_410 = tpu.memref_slice %arg2[%dma_wait3A_409] : memref<1024000xf32, #tpu.memory_space<hbm>> -> memref<1024000xf32, #tpu.memory_space<hbm>>
      tpu.wait_indirect_dma semaphore(%arg15 : memref<!tpu.dma_semaphore, #tpu.memory_space<semaphore_mem>>) src(%dma_wait3A_410 : memref<1024000xf32, #tpu.memory_space<hbm>>) dst(%dma_wait3A_405 : memref<128xf32, #tpu.memory_space<vmem>>)
      %dma_wait3A_411 = arith.constant 6 : i32
      %dma_wait3A_412 = arith.constant 6 : i32
      %dma_wait3A_413 = arith.constant 0 : i32
      %dma_wait3A_414 = tpu.memref_slice %arg7[%dma_wait3A_412, %dma_wait3A_413] : memref<8x128xf32, #tpu.memory_space<vmem>> -> memref<1x128xf32, #tpu.memory_space<vmem>>
      %dma_wait3A_415 = tpu.memref_squeeze %dma_wait3A_414 : memref<1x128xf32, #tpu.memory_space<vmem>> -> memref<128xf32, #tpu.memory_space<vmem>>
      %dma_wait3A_416 = arith.constant 0 : i32
      %dma_wait3A_417 = tpu.memref_slice %arg6[%dma_wait3A_411, %dma_wait3A_416] : memref<8x128xi32, #tpu.memory_space<vmem>> -> memref<1x128xi32, #tpu.memory_space<vmem>>
      %dma_wait3A_418 = tpu.memref_squeeze %dma_wait3A_417 : memref<1x128xi32, #tpu.memory_space<vmem>> -> memref<128xi32, #tpu.memory_space<vmem>>
      %dma_wait3A_419 = arith.constant 0 : i32
      %dma_wait3A_420 = tpu.memref_slice %arg2[%dma_wait3A_419] : memref<1024000xf32, #tpu.memory_space<hbm>> -> memref<1024000xf32, #tpu.memory_space<hbm>>
      tpu.wait_indirect_dma semaphore(%arg15 : memref<!tpu.dma_semaphore, #tpu.memory_space<semaphore_mem>>) src(%dma_wait3A_420 : memref<1024000xf32, #tpu.memory_space<hbm>>) dst(%dma_wait3A_415 : memref<128xf32, #tpu.memory_space<vmem>>)
      %dma_wait3A_421 = arith.constant 7 : i32
      %dma_wait3A_422 = arith.constant 7 : i32
      %dma_wait3A_423 = arith.constant 0 : i32
      %dma_wait3A_424 = tpu.memref_slice %arg7[%dma_wait3A_422, %dma_wait3A_423] : memref<8x128xf32, #tpu.memory_space<vmem>> -> memref<1x128xf32, #tpu.memory_space<vmem>>
      %dma_wait3A_425 = tpu.memref_squeeze %dma_wait3A_424 : memref<1x128xf32, #tpu.memory_space<vmem>> -> memref<128xf32, #tpu.memory_space<vmem>>
      %dma_wait3A_426 = arith.constant 0 : i32
      %dma_wait3A_427 = tpu.memref_slice %arg6[%dma_wait3A_421, %dma_wait3A_426] : memref<8x128xi32, #tpu.memory_space<vmem>> -> memref<1x128xi32, #tpu.memory_space<vmem>>
      %dma_wait3A_428 = tpu.memref_squeeze %dma_wait3A_427 : memref<1x128xi32, #tpu.memory_space<vmem>> -> memref<128xi32, #tpu.memory_space<vmem>>
      %dma_wait3A_429 = arith.constant 0 : i32
      %dma_wait3A_430 = tpu.memref_slice %arg2[%dma_wait3A_429] : memref<1024000xf32, #tpu.memory_space<hbm>> -> memref<1024000xf32, #tpu.memory_space<hbm>>
      tpu.wait_indirect_dma semaphore(%arg15 : memref<!tpu.dma_semaphore, #tpu.memory_space<semaphore_mem>>) src(%dma_wait3A_430 : memref<1024000xf32, #tpu.memory_space<hbm>>) dst(%dma_wait3A_425 : memref<128xf32, #tpu.memory_space<vmem>>)
      %dma_wait3A_431 = arith.constant 0 : i32
      %dma_wait3A_432 = arith.constant 0 : i32
      %dma_wait3A_433 = arith.constant 0 : i32
      %dma_wait3A_434 = tpu.memref_slice %arg9[%dma_wait3A_432, %dma_wait3A_433] : memref<8x128xf32, #tpu.memory_space<vmem>> -> memref<1x128xf32, #tpu.memory_space<vmem>>
      %dma_wait3A_435 = tpu.memref_squeeze %dma_wait3A_434 : memref<1x128xf32, #tpu.memory_space<vmem>> -> memref<128xf32, #tpu.memory_space<vmem>>
      %dma_wait3A_436 = arith.constant 0 : i32
      %dma_wait3A_437 = tpu.memref_slice %arg5[%dma_wait3A_431, %dma_wait3A_436] : memref<8x128xi32, #tpu.memory_space<vmem>> -> memref<1x128xi32, #tpu.memory_space<vmem>>
      %dma_wait3A_438 = tpu.memref_squeeze %dma_wait3A_437 : memref<1x128xi32, #tpu.memory_space<vmem>> -> memref<128xi32, #tpu.memory_space<vmem>>
      %dma_wait3A_439 = arith.constant 0 : i32
      %dma_wait3A_440 = tpu.memref_slice %arg14[%dma_wait3A_439] : memref<1024xf32, #tpu.memory_space<vmem_shared>> -> memref<1024xf32, #tpu.memory_space<vmem_shared>>
      tpu.wait_indirect_dma semaphore(%arg17 : memref<!tpu.dma_semaphore, #tpu.memory_space<semaphore_mem>>) src(%dma_wait3A_440 : memref<1024xf32, #tpu.memory_space<vmem_shared>>) dst(%dma_wait3A_435 : memref<128xf32, #tpu.memory_space<vmem>>)
      %dma_wait3A_441 = arith.constant 1 : i32
      %dma_wait3A_442 = arith.constant 1 : i32
      %dma_wait3A_443 = arith.constant 0 : i32
      %dma_wait3A_444 = tpu.memref_slice %arg9[%dma_wait3A_442, %dma_wait3A_443] : memref<8x128xf32, #tpu.memory_space<vmem>> -> memref<1x128xf32, #tpu.memory_space<vmem>>
      %dma_wait3A_445 = tpu.memref_squeeze %dma_wait3A_444 : memref<1x128xf32, #tpu.memory_space<vmem>> -> memref<128xf32, #tpu.memory_space<vmem>>
      %dma_wait3A_446 = arith.constant 0 : i32
      %dma_wait3A_447 = tpu.memref_slice %arg5[%dma_wait3A_441, %dma_wait3A_446] : memref<8x128xi32, #tpu.memory_space<vmem>> -> memref<1x128xi32, #tpu.memory_space<vmem>>
      %dma_wait3A_448 = tpu.memref_squeeze %dma_wait3A_447 : memref<1x128xi32, #tpu.memory_space<vmem>> -> memref<128xi32, #tpu.memory_space<vmem>>
      %dma_wait3A_449 = arith.constant 0 : i32
      %dma_wait3A_450 = tpu.memref_slice %arg14[%dma_wait3A_449] : memref<1024xf32, #tpu.memory_space<vmem_shared>> -> memref<1024xf32, #tpu.memory_space<vmem_shared>>
      tpu.wait_indirect_dma semaphore(%arg17 : memref<!tpu.dma_semaphore, #tpu.memory_space<semaphore_mem>>) src(%dma_wait3A_450 : memref<1024xf32, #tpu.memory_space<vmem_shared>>) dst(%dma_wait3A_445 : memref<128xf32, #tpu.memory_space<vmem>>)
      %dma_wait3A_451 = arith.constant 2 : i32
      %dma_wait3A_452 = arith.constant 2 : i32
      %dma_wait3A_453 = arith.constant 0 : i32
      %dma_wait3A_454 = tpu.memref_slice %arg9[%dma_wait3A_452, %dma_wait3A_453] : memref<8x128xf32, #tpu.memory_space<vmem>> -> memref<1x128xf32, #tpu.memory_space<vmem>>
      %dma_wait3A_455 = tpu.memref_squeeze %dma_wait3A_454 : memref<1x128xf32, #tpu.memory_space<vmem>> -> memref<128xf32, #tpu.memory_space<vmem>>
      %dma_wait3A_456 = arith.constant 0 : i32
      %dma_wait3A_457 = tpu.memref_slice %arg5[%dma_wait3A_451, %dma_wait3A_456] : memref<8x128xi32, #tpu.memory_space<vmem>> -> memref<1x128xi32, #tpu.memory_space<vmem>>
      %dma_wait3A_458 = tpu.memref_squeeze %dma_wait3A_457 : memref<1x128xi32, #tpu.memory_space<vmem>> -> memref<128xi32, #tpu.memory_space<vmem>>
      %dma_wait3A_459 = arith.constant 0 : i32
      %dma_wait3A_460 = tpu.memref_slice %arg14[%dma_wait3A_459] : memref<1024xf32, #tpu.memory_space<vmem_shared>> -> memref<1024xf32, #tpu.memory_space<vmem_shared>>
      tpu.wait_indirect_dma semaphore(%arg17 : memref<!tpu.dma_semaphore, #tpu.memory_space<semaphore_mem>>) src(%dma_wait3A_460 : memref<1024xf32, #tpu.memory_space<vmem_shared>>) dst(%dma_wait3A_455 : memref<128xf32, #tpu.memory_space<vmem>>)
      %dma_wait3A_461 = arith.constant 3 : i32
      %dma_wait3A_462 = arith.constant 3 : i32
      %dma_wait3A_463 = arith.constant 0 : i32
      %dma_wait3A_464 = tpu.memref_slice %arg9[%dma_wait3A_462, %dma_wait3A_463] : memref<8x128xf32, #tpu.memory_space<vmem>> -> memref<1x128xf32, #tpu.memory_space<vmem>>
      %dma_wait3A_465 = tpu.memref_squeeze %dma_wait3A_464 : memref<1x128xf32, #tpu.memory_space<vmem>> -> memref<128xf32, #tpu.memory_space<vmem>>
      %dma_wait3A_466 = arith.constant 0 : i32
      %dma_wait3A_467 = tpu.memref_slice %arg5[%dma_wait3A_461, %dma_wait3A_466] : memref<8x128xi32, #tpu.memory_space<vmem>> -> memref<1x128xi32, #tpu.memory_space<vmem>>
      %dma_wait3A_468 = tpu.memref_squeeze %dma_wait3A_467 : memref<1x128xi32, #tpu.memory_space<vmem>> -> memref<128xi32, #tpu.memory_space<vmem>>
      %dma_wait3A_469 = arith.constant 0 : i32
      %dma_wait3A_470 = tpu.memref_slice %arg14[%dma_wait3A_469] : memref<1024xf32, #tpu.memory_space<vmem_shared>> -> memref<1024xf32, #tpu.memory_space<vmem_shared>>
      tpu.wait_indirect_dma semaphore(%arg17 : memref<!tpu.dma_semaphore, #tpu.memory_space<semaphore_mem>>) src(%dma_wait3A_470 : memref<1024xf32, #tpu.memory_space<vmem_shared>>) dst(%dma_wait3A_465 : memref<128xf32, #tpu.memory_space<vmem>>)
      %dma_wait3A_471 = arith.constant 4 : i32
      %dma_wait3A_472 = arith.constant 4 : i32
      %dma_wait3A_473 = arith.constant 0 : i32
      %dma_wait3A_474 = tpu.memref_slice %arg9[%dma_wait3A_472, %dma_wait3A_473] : memref<8x128xf32, #tpu.memory_space<vmem>> -> memref<1x128xf32, #tpu.memory_space<vmem>>
      %dma_wait3A_475 = tpu.memref_squeeze %dma_wait3A_474 : memref<1x128xf32, #tpu.memory_space<vmem>> -> memref<128xf32, #tpu.memory_space<vmem>>
      %dma_wait3A_476 = arith.constant 0 : i32
      %dma_wait3A_477 = tpu.memref_slice %arg5[%dma_wait3A_471, %dma_wait3A_476] : memref<8x128xi32, #tpu.memory_space<vmem>> -> memref<1x128xi32, #tpu.memory_space<vmem>>
      %dma_wait3A_478 = tpu.memref_squeeze %dma_wait3A_477 : memref<1x128xi32, #tpu.memory_space<vmem>> -> memref<128xi32, #tpu.memory_space<vmem>>
      %dma_wait3A_479 = arith.constant 0 : i32
      %dma_wait3A_480 = tpu.memref_slice %arg14[%dma_wait3A_479] : memref<1024xf32, #tpu.memory_space<vmem_shared>> -> memref<1024xf32, #tpu.memory_space<vmem_shared>>
      tpu.wait_indirect_dma semaphore(%arg17 : memref<!tpu.dma_semaphore, #tpu.memory_space<semaphore_mem>>) src(%dma_wait3A_480 : memref<1024xf32, #tpu.memory_space<vmem_shared>>) dst(%dma_wait3A_475 : memref<128xf32, #tpu.memory_space<vmem>>)
      %dma_wait3A_481 = arith.constant 5 : i32
      %dma_wait3A_482 = arith.constant 5 : i32
      %dma_wait3A_483 = arith.constant 0 : i32
      %dma_wait3A_484 = tpu.memref_slice %arg9[%dma_wait3A_482, %dma_wait3A_483] : memref<8x128xf32, #tpu.memory_space<vmem>> -> memref<1x128xf32, #tpu.memory_space<vmem>>
      %dma_wait3A_485 = tpu.memref_squeeze %dma_wait3A_484 : memref<1x128xf32, #tpu.memory_space<vmem>> -> memref<128xf32, #tpu.memory_space<vmem>>
      %dma_wait3A_486 = arith.constant 0 : i32
      %dma_wait3A_487 = tpu.memref_slice %arg5[%dma_wait3A_481, %dma_wait3A_486] : memref<8x128xi32, #tpu.memory_space<vmem>> -> memref<1x128xi32, #tpu.memory_space<vmem>>
      %dma_wait3A_488 = tpu.memref_squeeze %dma_wait3A_487 : memref<1x128xi32, #tpu.memory_space<vmem>> -> memref<128xi32, #tpu.memory_space<vmem>>
      %dma_wait3A_489 = arith.constant 0 : i32
      %dma_wait3A_490 = tpu.memref_slice %arg14[%dma_wait3A_489] : memref<1024xf32, #tpu.memory_space<vmem_shared>> -> memref<1024xf32, #tpu.memory_space<vmem_shared>>
      tpu.wait_indirect_dma semaphore(%arg17 : memref<!tpu.dma_semaphore, #tpu.memory_space<semaphore_mem>>) src(%dma_wait3A_490 : memref<1024xf32, #tpu.memory_space<vmem_shared>>) dst(%dma_wait3A_485 : memref<128xf32, #tpu.memory_space<vmem>>)
      %dma_wait3A_491 = arith.constant 6 : i32
      %dma_wait3A_492 = arith.constant 6 : i32
      %dma_wait3A_493 = arith.constant 0 : i32
      %dma_wait3A_494 = tpu.memref_slice %arg9[%dma_wait3A_492, %dma_wait3A_493] : memref<8x128xf32, #tpu.memory_space<vmem>> -> memref<1x128xf32, #tpu.memory_space<vmem>>
      %dma_wait3A_495 = tpu.memref_squeeze %dma_wait3A_494 : memref<1x128xf32, #tpu.memory_space<vmem>> -> memref<128xf32, #tpu.memory_space<vmem>>
      %dma_wait3A_496 = arith.constant 0 : i32
      %dma_wait3A_497 = tpu.memref_slice %arg5[%dma_wait3A_491, %dma_wait3A_496] : memref<8x128xi32, #tpu.memory_space<vmem>> -> memref<1x128xi32, #tpu.memory_space<vmem>>
      %dma_wait3A_498 = tpu.memref_squeeze %dma_wait3A_497 : memref<1x128xi32, #tpu.memory_space<vmem>> -> memref<128xi32, #tpu.memory_space<vmem>>
      %dma_wait3A_499 = arith.constant 0 : i32
      %dma_wait3A_500 = tpu.memref_slice %arg14[%dma_wait3A_499] : memref<1024xf32, #tpu.memory_space<vmem_shared>> -> memref<1024xf32, #tpu.memory_space<vmem_shared>>
      tpu.wait_indirect_dma semaphore(%arg17 : memref<!tpu.dma_semaphore, #tpu.memory_space<semaphore_mem>>) src(%dma_wait3A_500 : memref<1024xf32, #tpu.memory_space<vmem_shared>>) dst(%dma_wait3A_495 : memref<128xf32, #tpu.memory_space<vmem>>)
      %dma_wait3A_501 = arith.constant 7 : i32
      %dma_wait3A_502 = arith.constant 7 : i32
      %dma_wait3A_503 = arith.constant 0 : i32
      %dma_wait3A_504 = tpu.memref_slice %arg9[%dma_wait3A_502, %dma_wait3A_503] : memref<8x128xf32, #tpu.memory_space<vmem>> -> memref<1x128xf32, #tpu.memory_space<vmem>>
      %dma_wait3A_505 = tpu.memref_squeeze %dma_wait3A_504 : memref<1x128xf32, #tpu.memory_space<vmem>> -> memref<128xf32, #tpu.memory_space<vmem>>
      %dma_wait3A_506 = arith.constant 0 : i32
      %dma_wait3A_507 = tpu.memref_slice %arg5[%dma_wait3A_501, %dma_wait3A_506] : memref<8x128xi32, #tpu.memory_space<vmem>> -> memref<1x128xi32, #tpu.memory_space<vmem>>
      %dma_wait3A_508 = tpu.memref_squeeze %dma_wait3A_507 : memref<1x128xi32, #tpu.memory_space<vmem>> -> memref<128xi32, #tpu.memory_space<vmem>>
      %dma_wait3A_509 = arith.constant 0 : i32
      %dma_wait3A_510 = tpu.memref_slice %arg14[%dma_wait3A_509] : memref<1024xf32, #tpu.memory_space<vmem_shared>> -> memref<1024xf32, #tpu.memory_space<vmem_shared>>
      tpu.wait_indirect_dma semaphore(%arg17 : memref<!tpu.dma_semaphore, #tpu.memory_space<semaphore_mem>>) src(%dma_wait3A_510 : memref<1024xf32, #tpu.memory_space<vmem_shared>>) dst(%dma_wait3A_505 : memref<128xf32, #tpu.memory_space<vmem>>)
      %broadcast_in_dim3A_511 = arith.constant 0.000000e+00 : f32
      %broadcast_in_dim3A_512 = vector.broadcast %broadcast_in_dim3A_511 : f32 to vector<16xf32>
      %broadcast_in_dim3A_513 = arith.constant 0.000000e+00 : f32
      %broadcast_in_dim3A_514 = vector.broadcast %broadcast_in_dim3A_513 : f32 to vector<16xf32>
      %scan3A_515 = arith.constant 0 : i32
      %scan3A_516 = arith.constant 64 : i32
      %scan3A_517 = arith.addi %scan3A_515, %scan3A_516 : i32
      %scan3A_518 = arith.constant 4 : i32
      %scan3A_519:2 = scf.for %scan3A_621 = %scan3A_515 to %scan3A_517 step %scan3A_518 iter_args(%scan3A_622 = %broadcast_in_dim3A_512, %scan3A_623 = %broadcast_in_dim3A_514) -> (vector<16xf32>, vector<16xf32>)  : i32 {
        %jit3A = arith.constant 8 : i32
        %div3A_624 = arith.divsi %scan3A_621, %jit3A : i32
        %sign3A = arith.constant 0 : i32
        %sign3A_625 = arith.cmpi sgt, %scan3A_621, %sign3A : i32
        %sign3A_626 = arith.extui %sign3A_625 : i1 to i32
        %sign3A_627 = arith.constant 0 : i32
        %sign3A_628 = arith.cmpi slt, %scan3A_621, %sign3A_627 : i32
        %sign3A_629 = arith.extui %sign3A_628 : i1 to i32
        %sign3A_630 = arith.subi %sign3A_626, %sign3A_629 : i32
        %sign3A_631 = arith.constant 0 : i32
        %sign3A_632 = arith.cmpi sgt, %jit3A, %sign3A_631 : i32
        %sign3A_633 = arith.extui %sign3A_632 : i1 to i32
        %sign3A_634 = arith.constant 0 : i32
        %sign3A_635 = arith.cmpi slt, %jit3A, %sign3A_634 : i32
        %sign3A_636 = arith.extui %sign3A_635 : i1 to i32
        %sign3A_637 = arith.subi %sign3A_633, %sign3A_636 : i32
        %ne3A = arith.cmpi ne, %sign3A_630, %sign3A_637 : i32
        %rem3A = arith.remsi %scan3A_621, %jit3A : i32
        %ne3A_638 = arith.constant 0 : i32
        %ne3A_639 = arith.cmpi ne, %rem3A, %ne3A_638 : i32
        %and3A = arith.andi %ne3A, %ne3A_639 : i1
        %sub3A = arith.constant 1 : i32
        %sub3A_640 = arith.subi %div3A_624, %sub3A : i32
        %select_n3A = arith.select %and3A, %sub3A_640, %div3A_624 : i32
        %jit3A_641 = arith.constant 8 : i32
        %eq3A_642 = arith.constant 0 : i32
        %eq3A_643 = arith.cmpi eq, %jit3A_641, %eq3A_642 : i32
        %jit3A_644 = arith.constant 1 : i32
        %select_n3A_645 = arith.select %eq3A_643, %jit3A_644, %jit3A_641 : i32
        %rem3A_646 = arith.remsi %scan3A_621, %select_n3A_645 : i32
        %ne3A_647 = arith.constant 0 : i32
        %ne3A_648 = arith.cmpi ne, %rem3A_646, %ne3A_647 : i32
        %lt3A = arith.constant 0 : i32
        %lt3A_649 = arith.cmpi slt, %rem3A_646, %lt3A : i32
        %lt3A_650 = arith.constant 0 : i32
        %lt3A_651 = arith.cmpi slt, %select_n3A_645, %lt3A_650 : i32
        %ne3A_652 = arith.xori %lt3A_649, %lt3A_651 : i1
        %and3A_653 = arith.andi %ne3A_652, %ne3A_648 : i1
        %add3A_654 = arith.addi %rem3A_646, %select_n3A_645 : i32
        %select_n3A_655 = arith.select %and3A_653, %add3A_654, %rem3A_646 : i32
        %mul3A = arith.constant 16 : i32
        %mul3A_656 = arith.muli %select_n3A_655, %mul3A : i32
        %get3A = arith.index_cast %select_n3A : i32 to index
        %get3A_657 = arith.index_cast %mul3A_656 : i32 to index
        %get3A_658 = tpu.vector_load %arg9[%get3A, %get3A_657] {strides = array<i32>} : memref<8x128xf32, #tpu.memory_space<vmem>>, vector<1x16xf32>,
        %get3A_659 = vector.shape_cast %get3A_658 : vector<1x16xf32> to vector<16xf32>
        %get3A_660 = arith.index_cast %select_n3A : i32 to index
        %get3A_661 = arith.index_cast %mul3A_656 : i32 to index
        %get3A_662 = tpu.vector_load %arg7[%get3A_660, %get3A_661] {strides = array<i32>} : memref<8x128xf32, #tpu.memory_space<vmem>>, vector<1x16xf32>,
        %get3A_663 = vector.shape_cast %get3A_662 : vector<1x16xf32> to vector<16xf32>
        %mul3A_664 = arith.mulf %get3A_659, %get3A_663 : vector<16xf32>
        %add3A_665 = arith.addf %scan3A_622, %mul3A_664 : vector<16xf32>
        %add3A_666 = arith.addf %scan3A_623, %get3A_659 : vector<16xf32>
        %scan3A_667 = arith.constant 1 : i32
        %scan3A_668 = arith.addi %scan3A_621, %scan3A_667 : i32
        %jit3A_669 = arith.constant 8 : i32
        %div3A_670 = arith.divsi %scan3A_668, %jit3A_669 : i32
        %sign3A_671 = arith.constant 0 : i32
        %sign3A_672 = arith.cmpi sgt, %scan3A_668, %sign3A_671 : i32
        %sign3A_673 = arith.extui %sign3A_672 : i1 to i32
        %sign3A_674 = arith.constant 0 : i32
        %sign3A_675 = arith.cmpi slt, %scan3A_668, %sign3A_674 : i32
        %sign3A_676 = arith.extui %sign3A_675 : i1 to i32
        %sign3A_677 = arith.subi %sign3A_673, %sign3A_676 : i32
        %sign3A_678 = arith.constant 0 : i32
        %sign3A_679 = arith.cmpi sgt, %jit3A_669, %sign3A_678 : i32
        %sign3A_680 = arith.extui %sign3A_679 : i1 to i32
        %sign3A_681 = arith.constant 0 : i32
        %sign3A_682 = arith.cmpi slt, %jit3A_669, %sign3A_681 : i32
        %sign3A_683 = arith.extui %sign3A_682 : i1 to i32
        %sign3A_684 = arith.subi %sign3A_680, %sign3A_683 : i32
        %ne3A_685 = arith.cmpi ne, %sign3A_677, %sign3A_684 : i32
        %rem3A_686 = arith.remsi %scan3A_668, %jit3A_669 : i32
        %ne3A_687 = arith.constant 0 : i32
        %ne3A_688 = arith.cmpi ne, %rem3A_686, %ne3A_687 : i32
        %and3A_689 = arith.andi %ne3A_685, %ne3A_688 : i1
        %sub3A_690 = arith.constant 1 : i32
        %sub3A_691 = arith.subi %div3A_670, %sub3A_690 : i32
        %select_n3A_692 = arith.select %and3A_689, %sub3A_691, %div3A_670 : i32
        %jit3A_693 = arith.constant 8 : i32
        %eq3A_694 = arith.constant 0 : i32
        %eq3A_695 = arith.cmpi eq, %jit3A_693, %eq3A_694 : i32
        %jit3A_696 = arith.constant 1 : i32
        %select_n3A_697 = arith.select %eq3A_695, %jit3A_696, %jit3A_693 : i32
        %rem3A_698 = arith.remsi %scan3A_668, %select_n3A_697 : i32
        %ne3A_699 = arith.constant 0 : i32
        %ne3A_700 = arith.cmpi ne, %rem3A_698, %ne3A_699 : i32
        %lt3A_701 = arith.constant 0 : i32
        %lt3A_702 = arith.cmpi slt, %rem3A_698, %lt3A_701 : i32
        %lt3A_703 = arith.constant 0 : i32
        %lt3A_704 = arith.cmpi slt, %select_n3A_697, %lt3A_703 : i32
        %ne3A_705 = arith.xori %lt3A_702, %lt3A_704 : i1
        %and3A_706 = arith.andi %ne3A_705, %ne3A_700 : i1
        %add3A_707 = arith.addi %rem3A_698, %select_n3A_697 : i32
        %select_n3A_708 = arith.select %and3A_706, %add3A_707, %rem3A_698 : i32
        %mul3A_709 = arith.constant 16 : i32
        %mul3A_710 = arith.muli %select_n3A_708, %mul3A_709 : i32
        %get3A_711 = arith.index_cast %select_n3A_692 : i32 to index
        %get3A_712 = arith.index_cast %mul3A_710 : i32 to index
        %get3A_713 = tpu.vector_load %arg9[%get3A_711, %get3A_712] {strides = array<i32>} : memref<8x128xf32, #tpu.memory_space<vmem>>, vector<1x16xf32>,
        %get3A_714 = vector.shape_cast %get3A_713 : vector<1x16xf32> to vector<16xf32>
        %get3A_715 = arith.index_cast %select_n3A_692 : i32 to index
        %get3A_716 = arith.index_cast %mul3A_710 : i32 to index
        %get3A_717 = tpu.vector_load %arg7[%get3A_715, %get3A_716] {strides = array<i32>} : memref<8x128xf32, #tpu.memory_space<vmem>>, vector<1x16xf32>,
        %get3A_718 = vector.shape_cast %get3A_717 : vector<1x16xf32> to vector<16xf32>
        %mul3A_719 = arith.mulf %get3A_714, %get3A_718 : vector<16xf32>
        %add3A_720 = arith.addf %add3A_665, %mul3A_719 : vector<16xf32>
        %add3A_721 = arith.addf %add3A_666, %get3A_714 : vector<16xf32>
        %scan3A_722 = arith.constant 2 : i32
        %scan3A_723 = arith.addi %scan3A_621, %scan3A_722 : i32
        %jit3A_724 = arith.constant 8 : i32
        %div3A_725 = arith.divsi %scan3A_723, %jit3A_724 : i32
        %sign3A_726 = arith.constant 0 : i32
        %sign3A_727 = arith.cmpi sgt, %scan3A_723, %sign3A_726 : i32
        %sign3A_728 = arith.extui %sign3A_727 : i1 to i32
        %sign3A_729 = arith.constant 0 : i32
        %sign3A_730 = arith.cmpi slt, %scan3A_723, %sign3A_729 : i32
        %sign3A_731 = arith.extui %sign3A_730 : i1 to i32
        %sign3A_732 = arith.subi %sign3A_728, %sign3A_731 : i32
        %sign3A_733 = arith.constant 0 : i32
        %sign3A_734 = arith.cmpi sgt, %jit3A_724, %sign3A_733 : i32
        %sign3A_735 = arith.extui %sign3A_734 : i1 to i32
        %sign3A_736 = arith.constant 0 : i32
        %sign3A_737 = arith.cmpi slt, %jit3A_724, %sign3A_736 : i32
        %sign3A_738 = arith.extui %sign3A_737 : i1 to i32
        %sign3A_739 = arith.subi %sign3A_735, %sign3A_738 : i32
        %ne3A_740 = arith.cmpi ne, %sign3A_732, %sign3A_739 : i32
        %rem3A_741 = arith.remsi %scan3A_723, %jit3A_724 : i32
        %ne3A_742 = arith.constant 0 : i32
        %ne3A_743 = arith.cmpi ne, %rem3A_741, %ne3A_742 : i32
        %and3A_744 = arith.andi %ne3A_740, %ne3A_743 : i1
        %sub3A_745 = arith.constant 1 : i32
        %sub3A_746 = arith.subi %div3A_725, %sub3A_745 : i32
        %select_n3A_747 = arith.select %and3A_744, %sub3A_746, %div3A_725 : i32
        %jit3A_748 = arith.constant 8 : i32
        %eq3A_749 = arith.constant 0 : i32
        %eq3A_750 = arith.cmpi eq, %jit3A_748, %eq3A_749 : i32
        %jit3A_751 = arith.constant 1 : i32
        %select_n3A_752 = arith.select %eq3A_750, %jit3A_751, %jit3A_748 : i32
        %rem3A_753 = arith.remsi %scan3A_723, %select_n3A_752 : i32
        %ne3A_754 = arith.constant 0 : i32
        %ne3A_755 = arith.cmpi ne, %rem3A_753, %ne3A_754 : i32
        %lt3A_756 = arith.constant 0 : i32
        %lt3A_757 = arith.cmpi slt, %rem3A_753, %lt3A_756 : i32
        %lt3A_758 = arith.constant 0 : i32
        %lt3A_759 = arith.cmpi slt, %select_n3A_752, %lt3A_758 : i32
        %ne3A_760 = arith.xori %lt3A_757, %lt3A_759 : i1
        %and3A_761 = arith.andi %ne3A_760, %ne3A_755 : i1
        %add3A_762 = arith.addi %rem3A_753, %select_n3A_752 : i32
        %select_n3A_763 = arith.select %and3A_761, %add3A_762, %rem3A_753 : i32
        %mul3A_764 = arith.constant 16 : i32
        %mul3A_765 = arith.muli %select_n3A_763, %mul3A_764 : i32
        %get3A_766 = arith.index_cast %select_n3A_747 : i32 to index
        %get3A_767 = arith.index_cast %mul3A_765 : i32 to index
        %get3A_768 = tpu.vector_load %arg9[%get3A_766, %get3A_767] {strides = array<i32>} : memref<8x128xf32, #tpu.memory_space<vmem>>, vector<1x16xf32>,
        %get3A_769 = vector.shape_cast %get3A_768 : vector<1x16xf32> to vector<16xf32>
        %get3A_770 = arith.index_cast %select_n3A_747 : i32 to index
        %get3A_771 = arith.index_cast %mul3A_765 : i32 to index
        %get3A_772 = tpu.vector_load %arg7[%get3A_770, %get3A_771] {strides = array<i32>} : memref<8x128xf32, #tpu.memory_space<vmem>>, vector<1x16xf32>,
        %get3A_773 = vector.shape_cast %get3A_772 : vector<1x16xf32> to vector<16xf32>
        %mul3A_774 = arith.mulf %get3A_769, %get3A_773 : vector<16xf32>
        %add3A_775 = arith.addf %add3A_720, %mul3A_774 : vector<16xf32>
        %add3A_776 = arith.addf %add3A_721, %get3A_769 : vector<16xf32>
        %scan3A_777 = arith.constant 3 : i32
        %scan3A_778 = arith.addi %scan3A_621, %scan3A_777 : i32
        %jit3A_779 = arith.constant 8 : i32
        %div3A_780 = arith.divsi %scan3A_778, %jit3A_779 : i32
        %sign3A_781 = arith.constant 0 : i32
        %sign3A_782 = arith.cmpi sgt, %scan3A_778, %sign3A_781 : i32
        %sign3A_783 = arith.extui %sign3A_782 : i1 to i32
        %sign3A_784 = arith.constant 0 : i32
        %sign3A_785 = arith.cmpi slt, %scan3A_778, %sign3A_784 : i32
        %sign3A_786 = arith.extui %sign3A_785 : i1 to i32
        %sign3A_787 = arith.subi %sign3A_783, %sign3A_786 : i32
        %sign3A_788 = arith.constant 0 : i32
        %sign3A_789 = arith.cmpi sgt, %jit3A_779, %sign3A_788 : i32
        %sign3A_790 = arith.extui %sign3A_789 : i1 to i32
        %sign3A_791 = arith.constant 0 : i32
        %sign3A_792 = arith.cmpi slt, %jit3A_779, %sign3A_791 : i32
        %sign3A_793 = arith.extui %sign3A_792 : i1 to i32
        %sign3A_794 = arith.subi %sign3A_790, %sign3A_793 : i32
        %ne3A_795 = arith.cmpi ne, %sign3A_787, %sign3A_794 : i32
        %rem3A_796 = arith.remsi %scan3A_778, %jit3A_779 : i32
        %ne3A_797 = arith.constant 0 : i32
        %ne3A_798 = arith.cmpi ne, %rem3A_796, %ne3A_797 : i32
        %and3A_799 = arith.andi %ne3A_795, %ne3A_798 : i1
        %sub3A_800 = arith.constant 1 : i32
        %sub3A_801 = arith.subi %div3A_780, %sub3A_800 : i32
        %select_n3A_802 = arith.select %and3A_799, %sub3A_801, %div3A_780 : i32
        %jit3A_803 = arith.constant 8 : i32
        %eq3A_804 = arith.constant 0 : i32
        %eq3A_805 = arith.cmpi eq, %jit3A_803, %eq3A_804 : i32
        %jit3A_806 = arith.constant 1 : i32
        %select_n3A_807 = arith.select %eq3A_805, %jit3A_806, %jit3A_803 : i32
        %rem3A_808 = arith.remsi %scan3A_778, %select_n3A_807 : i32
        %ne3A_809 = arith.constant 0 : i32
        %ne3A_810 = arith.cmpi ne, %rem3A_808, %ne3A_809 : i32
        %lt3A_811 = arith.constant 0 : i32
        %lt3A_812 = arith.cmpi slt, %rem3A_808, %lt3A_811 : i32
        %lt3A_813 = arith.constant 0 : i32
        %lt3A_814 = arith.cmpi slt, %select_n3A_807, %lt3A_813 : i32
        %ne3A_815 = arith.xori %lt3A_812, %lt3A_814 : i1
        %and3A_816 = arith.andi %ne3A_815, %ne3A_810 : i1
        %add3A_817 = arith.addi %rem3A_808, %select_n3A_807 : i32
        %select_n3A_818 = arith.select %and3A_816, %add3A_817, %rem3A_808 : i32
        %mul3A_819 = arith.constant 16 : i32
        %mul3A_820 = arith.muli %select_n3A_818, %mul3A_819 : i32
        %get3A_821 = arith.index_cast %select_n3A_802 : i32 to index
        %get3A_822 = arith.index_cast %mul3A_820 : i32 to index
        %get3A_823 = tpu.vector_load %arg9[%get3A_821, %get3A_822] {strides = array<i32>} : memref<8x128xf32, #tpu.memory_space<vmem>>, vector<1x16xf32>,
        %get3A_824 = vector.shape_cast %get3A_823 : vector<1x16xf32> to vector<16xf32>
        %get3A_825 = arith.index_cast %select_n3A_802 : i32 to index
        %get3A_826 = arith.index_cast %mul3A_820 : i32 to index
        %get3A_827 = tpu.vector_load %arg7[%get3A_825, %get3A_826] {strides = array<i32>} : memref<8x128xf32, #tpu.memory_space<vmem>>, vector<1x16xf32>,
        %get3A_828 = vector.shape_cast %get3A_827 : vector<1x16xf32> to vector<16xf32>
        %mul3A_829 = arith.mulf %get3A_824, %get3A_828 : vector<16xf32>
        %add3A_830 = arith.addf %add3A_775, %mul3A_829 : vector<16xf32>
        %add3A_831 = arith.addf %add3A_776, %get3A_824 : vector<16xf32>
        scf.yield %add3A_830, %add3A_831 : vector<16xf32>, vector<16xf32>
      }
      %scan3A_520 = arith.constant 64 : i32
      %slice3A = vector.extract_strided_slice %scan3A_519#0 {offsets = [0], sizes = [1], strides = [1]} : vector<16xf32> to vector<1xf32>
      %squeeze3A = vector.extract %slice3A[0] : f32 from vector<1xf32>
      %slice3A_521 = vector.extract_strided_slice %scan3A_519#1 {offsets = [0], sizes = [1], strides = [1]} : vector<16xf32> to vector<1xf32>
      %squeeze3A_522 = vector.extract %slice3A_521[0] : f32 from vector<1xf32>
      %slice3A_523 = vector.extract_strided_slice %scan3A_519#0 {offsets = [1], sizes = [1], strides = [1]} : vector<16xf32> to vector<1xf32>
      %squeeze3A_524 = vector.extract %slice3A_523[0] : f32 from vector<1xf32>
      %add3A_525 = arith.addf %squeeze3A, %squeeze3A_524 : f32
      %slice3A_526 = vector.extract_strided_slice %scan3A_519#1 {offsets = [1], sizes = [1], strides = [1]} : vector<16xf32> to vector<1xf32>
      %squeeze3A_527 = vector.extract %slice3A_526[0] : f32 from vector<1xf32>
      %add3A_528 = arith.addf %squeeze3A_522, %squeeze3A_527 : f32
      %slice3A_529 = vector.extract_strided_slice %scan3A_519#0 {offsets = [2], sizes = [1], strides = [1]} : vector<16xf32> to vector<1xf32>
      %squeeze3A_530 = vector.extract %slice3A_529[0] : f32 from vector<1xf32>
      %add3A_531 = arith.addf %add3A_525, %squeeze3A_530 : f32
      %slice3A_532 = vector.extract_strided_slice %scan3A_519#1 {offsets = [2], sizes = [1], strides = [1]} : vector<16xf32> to vector<1xf32>
      %squeeze3A_533 = vector.extract %slice3A_532[0] : f32 from vector<1xf32>
      %add3A_534 = arith.addf %add3A_528, %squeeze3A_533 : f32
      %slice3A_535 = vector.extract_strided_slice %scan3A_519#0 {offsets = [3], sizes = [1], strides = [1]} : vector<16xf32> to vector<1xf32>
      %squeeze3A_536 = vector.extract %slice3A_535[0] : f32 from vector<1xf32>
      %add3A_537 = arith.addf %add3A_531, %squeeze3A_536 : f32
      %slice3A_538 = vector.extract_strided_slice %scan3A_519#1 {offsets = [3], sizes = [1], strides = [1]} : vector<16xf32> to vector<1xf32>
      %squeeze3A_539 = vector.extract %slice3A_538[0] : f32 from vector<1xf32>
      %add3A_540 = arith.addf %add3A_534, %squeeze3A_539 : f32
      %slice3A_541 = vector.extract_strided_slice %scan3A_519#0 {offsets = [4], sizes = [1], strides = [1]} : vector<16xf32> to vector<1xf32>
      %squeeze3A_542 = vector.extract %slice3A_541[0] : f32 from vector<1xf32>
      %add3A_543 = arith.addf %add3A_537, %squeeze3A_542 : f32
      %slice3A_544 = vector.extract_strided_slice %scan3A_519#1 {offsets = [4], sizes = [1], strides = [1]} : vector<16xf32> to vector<1xf32>
      %squeeze3A_545 = vector.extract %slice3A_544[0] : f32 from vector<1xf32>
      %add3A_546 = arith.addf %add3A_540, %squeeze3A_545 : f32
      %slice3A_547 = vector.extract_strided_slice %scan3A_519#0 {offsets = [5], sizes = [1], strides = [1]} : vector<16xf32> to vector<1xf32>
      %squeeze3A_548 = vector.extract %slice3A_547[0] : f32 from vector<1xf32>
      %add3A_549 = arith.addf %add3A_543, %squeeze3A_548 : f32
      %slice3A_550 = vector.extract_strided_slice %scan3A_519#1 {offsets = [5], sizes = [1], strides = [1]} : vector<16xf32> to vector<1xf32>
      %squeeze3A_551 = vector.extract %slice3A_550[0] : f32 from vector<1xf32>
      %add3A_552 = arith.addf %add3A_546, %squeeze3A_551 : f32
      %slice3A_553 = vector.extract_strided_slice %scan3A_519#0 {offsets = [6], sizes = [1], strides = [1]} : vector<16xf32> to vector<1xf32>
      %squeeze3A_554 = vector.extract %slice3A_553[0] : f32 from vector<1xf32>
      %add3A_555 = arith.addf %add3A_549, %squeeze3A_554 : f32
      %slice3A_556 = vector.extract_strided_slice %scan3A_519#1 {offsets = [6], sizes = [1], strides = [1]} : vector<16xf32> to vector<1xf32>
      %squeeze3A_557 = vector.extract %slice3A_556[0] : f32 from vector<1xf32>
      %add3A_558 = arith.addf %add3A_552, %squeeze3A_557 : f32
      %slice3A_559 = vector.extract_strided_slice %scan3A_519#0 {offsets = [7], sizes = [1], strides = [1]} : vector<16xf32> to vector<1xf32>
      %squeeze3A_560 = vector.extract %slice3A_559[0] : f32 from vector<1xf32>
      %add3A_561 = arith.addf %add3A_555, %squeeze3A_560 : f32
      %slice3A_562 = vector.extract_strided_slice %scan3A_519#1 {offsets = [7], sizes = [1], strides = [1]} : vector<16xf32> to vector<1xf32>
      %squeeze3A_563 = vector.extract %slice3A_562[0] : f32 from vector<1xf32>
      %add3A_564 = arith.addf %add3A_558, %squeeze3A_563 : f32
      %slice3A_565 = vector.extract_strided_slice %scan3A_519#0 {offsets = [8], sizes = [1], strides = [1]} : vector<16xf32> to vector<1xf32>
      %squeeze3A_566 = vector.extract %slice3A_565[0] : f32 from vector<1xf32>
      %add3A_567 = arith.addf %add3A_561, %squeeze3A_566 : f32
      %slice3A_568 = vector.extract_strided_slice %scan3A_519#1 {offsets = [8], sizes = [1], strides = [1]} : vector<16xf32> to vector<1xf32>
      %squeeze3A_569 = vector.extract %slice3A_568[0] : f32 from vector<1xf32>
      %add3A_570 = arith.addf %add3A_564, %squeeze3A_569 : f32
      %slice3A_571 = vector.extract_strided_slice %scan3A_519#0 {offsets = [9], sizes = [1], strides = [1]} : vector<16xf32> to vector<1xf32>
      %squeeze3A_572 = vector.extract %slice3A_571[0] : f32 from vector<1xf32>
      %add3A_573 = arith.addf %add3A_567, %squeeze3A_572 : f32
      %slice3A_574 = vector.extract_strided_slice %scan3A_519#1 {offsets = [9], sizes = [1], strides = [1]} : vector<16xf32> to vector<1xf32>
      %squeeze3A_575 = vector.extract %slice3A_574[0] : f32 from vector<1xf32>
      %add3A_576 = arith.addf %add3A_570, %squeeze3A_575 : f32
      %slice3A_577 = vector.extract_strided_slice %scan3A_519#0 {offsets = [10], sizes = [1], strides = [1]} : vector<16xf32> to vector<1xf32>
      %squeeze3A_578 = vector.extract %slice3A_577[0] : f32 from vector<1xf32>
      %add3A_579 = arith.addf %add3A_573, %squeeze3A_578 : f32
      %slice3A_580 = vector.extract_strided_slice %scan3A_519#1 {offsets = [10], sizes = [1], strides = [1]} : vector<16xf32> to vector<1xf32>
      %squeeze3A_581 = vector.extract %slice3A_580[0] : f32 from vector<1xf32>
      %add3A_582 = arith.addf %add3A_576, %squeeze3A_581 : f32
      %slice3A_583 = vector.extract_strided_slice %scan3A_519#0 {offsets = [11], sizes = [1], strides = [1]} : vector<16xf32> to vector<1xf32>
      %squeeze3A_584 = vector.extract %slice3A_583[0] : f32 from vector<1xf32>
      %add3A_585 = arith.addf %add3A_579, %squeeze3A_584 : f32
      %slice3A_586 = vector.extract_strided_slice %scan3A_519#1 {offsets = [11], sizes = [1], strides = [1]} : vector<16xf32> to vector<1xf32>
      %squeeze3A_587 = vector.extract %slice3A_586[0] : f32 from vector<1xf32>
      %add3A_588 = arith.addf %add3A_582, %squeeze3A_587 : f32
      %slice3A_589 = vector.extract_strided_slice %scan3A_519#0 {offsets = [12], sizes = [1], strides = [1]} : vector<16xf32> to vector<1xf32>
      %squeeze3A_590 = vector.extract %slice3A_589[0] : f32 from vector<1xf32>
      %add3A_591 = arith.addf %add3A_585, %squeeze3A_590 : f32
      %slice3A_592 = vector.extract_strided_slice %scan3A_519#1 {offsets = [12], sizes = [1], strides = [1]} : vector<16xf32> to vector<1xf32>
      %squeeze3A_593 = vector.extract %slice3A_592[0] : f32 from vector<1xf32>
      %add3A_594 = arith.addf %add3A_588, %squeeze3A_593 : f32
      %slice3A_595 = vector.extract_strided_slice %scan3A_519#0 {offsets = [13], sizes = [1], strides = [1]} : vector<16xf32> to vector<1xf32>
      %squeeze3A_596 = vector.extract %slice3A_595[0] : f32 from vector<1xf32>
      %add3A_597 = arith.addf %add3A_591, %squeeze3A_596 : f32
      %slice3A_598 = vector.extract_strided_slice %scan3A_519#1 {offsets = [13], sizes = [1], strides = [1]} : vector<16xf32> to vector<1xf32>
      %squeeze3A_599 = vector.extract %slice3A_598[0] : f32 from vector<1xf32>
      %add3A_600 = arith.addf %add3A_594, %squeeze3A_599 : f32
      %slice3A_601 = vector.extract_strided_slice %scan3A_519#0 {offsets = [14], sizes = [1], strides = [1]} : vector<16xf32> to vector<1xf32>
      %squeeze3A_602 = vector.extract %slice3A_601[0] : f32 from vector<1xf32>
      %add3A_603 = arith.addf %add3A_597, %squeeze3A_602 : f32
      %slice3A_604 = vector.extract_strided_slice %scan3A_519#1 {offsets = [14], sizes = [1], strides = [1]} : vector<16xf32> to vector<1xf32>
      %squeeze3A_605 = vector.extract %slice3A_604[0] : f32 from vector<1xf32>
      %add3A_606 = arith.addf %add3A_600, %squeeze3A_605 : f32
      %slice3A_607 = vector.extract_strided_slice %scan3A_519#0 {offsets = [15], sizes = [1], strides = [1]} : vector<16xf32> to vector<1xf32>
      %squeeze3A_608 = vector.extract %slice3A_607[0] : f32 from vector<1xf32>
      %add3A_609 = arith.addf %add3A_603, %squeeze3A_608 : f32
      %slice3A_610 = vector.extract_strided_slice %scan3A_519#1 {offsets = [15], sizes = [1], strides = [1]} : vector<16xf32> to vector<1xf32>
      %squeeze3A_611 = vector.extract %slice3A_610[0] : f32 from vector<1xf32>
      %add3A_612 = arith.addf %add3A_606, %squeeze3A_611 : f32
      %broadcast_in_dim3A_613 = vector.broadcast %add3A_609 : f32 to vector<16xf32>
      %broadcast_in_dim3A_614 = vector.broadcast %add3A_612 : f32 to vector<16xf32>
      %div3A = arith.divf %broadcast_in_dim3A_613, %broadcast_in_dim3A_614 : vector<16xf32>
      %neg3A = arith.constant 0.000000e+00 : f32
      %neg3A_615 = vector.broadcast %neg3A : f32 to vector<16xf32>
      %neg3A_616 = arith.subf %neg3A_615, %div3A : vector<16xf32>
      %swap3A_617 = arith.constant 0 : index
      %swap3A_618 = tpu.vector_load %arg12[%swap3A_617] {strides = array<i32>} : memref<16xf32, #tpu.memory_space<vmem>>, vector<16xf32>,
      %swap3A_619 = vector.shape_cast %swap3A_618 : vector<16xf32> to vector<16xf32>
      %swap3A_620 = vector.shape_cast %neg3A_616 : vector<16xf32> to vector<16xf32>
      tpu.vector_store %arg12[%swap3A_617], %swap3A_620 {strides = array<i32>} : memref<16xf32, #tpu.memory_space<vmem>>, vector<16xf32>,
      "tpu.region"() ({
        %run_scoped3A = tpu.sem_alloc : memref<!tpu.dma_semaphore, #tpu.memory_space<semaphore_mem>>
        tpu.enqueue_dma source(%arg12 : memref<16xf32, #tpu.memory_space<vmem>>) target(%arg4 : memref<16xf32, #tpu.memory_space<hbm>>) target_semaphore(%run_scoped3A : memref<!tpu.dma_semaphore, #tpu.memory_space<semaphore_mem>>)
        tpu.wait_dma2 semaphore(%run_scoped3A : memref<!tpu.dma_semaphore, #tpu.memory_space<semaphore_mem>>) src(%arg12 : memref<16xf32, #tpu.memory_space<vmem>>) dst(%arg4 : memref<16xf32, #tpu.memory_space<hbm>>)
        tpu.yield
      }) : () -> ()
    } else {
    }
    return
  }
}

</mosaic_0001>

<sc_bundles>
// kernel: kernel.3.cloned.1.call-start
scs
__scs_entry_jumppad:
0x0: {  	(pc) =	sbr.rel $0x88, $3  }
0x1: {  	(tag) =	ssettag $0x0;
	lr =	simm.s32 $0x1  }
0x2: {  	[smem:$0x3F9F] =	sst lr;
	_ =	strace $0xD0000000  }
0x3: {  	_ = 	snop  }
0x4: {  	_ = 	snop  }
0x5: {  	_ = 	snop  }
0x6: {  	_ = 	snop  }
0x7: {  	_ = 	snop  }
__scs_overlays_trampoline_lowered:
0x8: {  	[smem:$0x3FAE] =	sst s0  }
0x9: {  	[smem:$0x3FAF] =	sst s1  }
0xa: {  	[smem:$0x3FB0] =	sst s2  }
0xb: {  	[smem:$0x3FB1] =	sst s3  }
0xc: {  	[smem:$0x3FB2] =	sst s4  }
0xd: {  	[smem:$0x3FB3] =	sst s5  }
0xe: {  	[smem:$0x3FB4] =	sst s6  }
0xf: {  	[smem:$0x3FB5] =	sst s7  }
0x10: {  	[smem:$0x3FB6] =	sst s8  }
0x11: {  	[smem:$0x3FB7] =	sst s9;
	s0 =	simm.s32 @!p0 $0x0  }
0x12: {  	s1 =	sld [smem:$0x3F9D];
	s0 =	simm.s32 @p0 $0x1  }
0x13: {  	[smem:$0x3FB8] =	sst s0;
	s0 =	simm.s32 @!p1 $0x0  }
0x14: {  	s2 =	sld [smem:$0x3F9C];
	s0 =	simm.s32 @p1 $0x1  }
0x15: {  	[smem:$0x3FB9] =	sst s0;
	s0 =	simm.s32 @!p2 $0x0  }
0x16: {  	s3 =	sld [smem:$0x3FDB];
	s0 =	simm.s32 @p2 $0x1  }
0x17: {  	s4 =	simm.s32 $0x1BF5;
	[smem:$0x3FBB] =	sst s0  }
0x18: {  	s0 =	sld [smem:$0x3F9E];
	_ =	swait.ge [sflag:s4], $0x0  }
0x19: {  	s7 =	sld [smem:$0x3F9F]  }
0x1a: {  	s8 =	sadd.s32 $0xFFFFE003, lr  }
0x1b: {  	s9 =	sadd.s32 $0xFFFFFEF7, lr;
	s5 =	simm.s32 $0xFFFFFFFF;
	p2 =	slt.u32 s8, $0xFFFFF086  }
0x1c: {  	p1 =	slt.u32 s9, $0xF7A;
	s5 =	simm.s32 @!p2 $0x0  }
0x1d: {  	s5 =	simm.s32 @p1 $0x1;
	p0 =	seq.s32 s7, s2  }
0x1e: {  	s7 =	smul.u32 @!p0 $0xF7A, s2;
	p2 =	seq.s32 @!p0 s5, $0x0  }
0x1f: {  	s9 =	smul.u32 $0xF7A, s1;
	s8 =	simm.s32 @!p0 $0x1BF5;
	p2 =	por !p2, p0  }
0x20: {  	[sflag:s8] =	ssyncset.s32 @!p0 $0xFFFFF086;
	s6 =	sadd.s32 @!p0 s3, s7;
	s7 =	simm.s32 @!p0 $0x108  }
0x21: {  	s3 =	sadd.s32 s3, s9;
	s6 =	sadd.s32 @!p0 $0x88, s6;
	s7 =	simm.s32 @p2 $0x1082  }
0x22: {  	[simem:s7], [sflag:s8] =	dma.local @!p0 [hbm:s6], $0xF7A  }
0x23: {  	s9 =	sor.u32 $0xD0000000, s2;
	s6 =	simm.s32 $0x108;
	_ =	swait.ge @!p0 [sflag:s8], $0x0  }
0x24: {  	s3 =	sadd.s32 $0x88, s3;
	s6 =	simm.s32 @!p1 $0x1082;
	[sflag:s4] =	ssyncset.s32 $0xFFFFF086  }
0x25: {  	[simem:s6], [sflag:s4] =	dma.local [hbm:s3], $0xF7A  }
0x26: {  	[smem:$0x3F9F] =	sst s1;
	(tag) =	ssettag s2;
	_ =	strace s9  }
0x27: {  	s1 =	sld [smem:$0x3FAF]  }
0x28: {  	s2 =	sld [smem:$0x3FB0]  }
0x29: {  	s4 =	sld [smem:$0x3FB2]  }
0x2a: {  	p0 =	seq.s32 s5, $0x0;
	s5 =	sld [smem:$0x3FB3]  }
0x2b: {  	s6 =	sld [smem:$0x3FB4]  }
0x2c: {  	s7 =	sld [smem:$0x3FB5]  }
0x2d: {  	s3 =	simm.s32 $0x108;
	s8 =	sld [smem:$0x3FB6]  }
0x2e: {  	s3 =	simm.s32 @!p0 $0x1082;
	s9 =	sld [smem:$0x3FB7]  }
0x2f: {  	lr =	sadd.s32 s0, s3;
	s0 =	sld [smem:$0x3FAE]  }
0x30: {  	s3 =	sld [smem:$0x3FB1]  }
0x31: {  	[smem:$0x3FBA] =	sst s10  }
0x32: {  	s10 =	sld [smem:$0x3FB8];
	_ =	sdelay $0x3  }
0x33: {  	p0 =	seq.s32 s10, $0x1;
	s10 =	sld [smem:$0x3FBA];
	_ =	sdelay $0x3  }
0x34: {  	[smem:$0x3FBA] =	sst s10  }
0x35: {  	s10 =	sld [smem:$0x3FB9];
	_ =	sdelay $0x3  }
0x36: {  	p1 =	seq.s32 s10, $0x1;
	s10 =	sld [smem:$0x3FBA];
	_ =	sdelay $0x3  }
0x37: {  	[smem:$0x3FBA] =	sst s10  }
0x38: {  	s10 =	sld [smem:$0x3FBB]  }
0x39: {  	_ = 	snop;
	(pc) =	sbr.ind lr, $3  }
0x3a: {  	_ = 	snop  }
0x3b: {  	_ = 	snop  }
0x3c: {  	p2 =	seq.s32 s10, $0x1;
	s10 =	sld [smem:$0x3FBA]  }
0x3d: {  	_ =	shalt  }
0x3e: {  	_ =	shalt  }
0x3f: {  	_ =	shalt  }
0x40: {  	_ =	shalt  }
0x41: {  	_ =	shalt  }
0x42: {  	_ =	shalt  }
0x43: {  	_ =	shalt  }
0x44: {  	_ =	shalt  }
0x45: {  	_ =	shalt  }
0x46: {  	_ =	shalt  }
0x47: {  	_ =	shalt  }
0x48: {  	_ =	shalt  }
0x49: {  	_ =	shalt  }
0x4a: {  	_ =	shalt  }
0x4b: {  	_ =	shalt  }
0x4c: {  	_ =	shalt  }
0x4d: {  	_ =	shalt  }
0x4e: {  	_ =	shalt  }
0x4f: {  	_ =	shalt  }
0x50: {  	_ =	shalt  }
0x51: {  	_ =	shalt  }
0x52: {  	_ =	shalt  }
0x53: {  	_ =	shalt  }
0x54: {  	_ =	shalt  }
0x55: {  	_ =	shalt  }
0x56: {  	_ =	shalt  }
0x57: {  	_ =	shalt  }
0x58: {  	_ =	shalt  }
0x59: {  	_ =	shalt  }
0x5a: {  	_ =	shalt  }
0x5b: {  	_ =	shalt  }
0x5c: {  	_ =	shalt  }
0x5d: {  	_ =	shalt  }
0x5e: {  	_ =	shalt  }
0x5f: {  	_ =	shalt  }
0x60: {  	_ =	shalt  }
0x61: {  	_ =	shalt  }
0x62: {  	_ =	shalt  }
0x63: {  	_ =	shalt  }
0x64: {  	_ =	shalt  }
0x65: {  	_ =	shalt  }
0x66: {  	_ =	shalt  }
0x67: {  	_ =	shalt  }
0x68: {  	_ =	shalt  }
0x69: {  	_ =	shalt  }
0x6a: {  	_ =	shalt  }
0x6b: {  	_ =	shalt  }
0x6c: {  	_ =	shalt  }
0x6d: {  	_ =	shalt  }
0x6e: {  	_ =	shalt  }
0x6f: {  	_ =	shalt  }
0x70: {  	_ =	shalt  }
0x71: {  	_ =	shalt  }
0x72: {  	_ =	shalt  }
0x73: {  	_ =	shalt  }
0x74: {  	_ =	shalt  }
0x75: {  	_ =	shalt  }
0x76: {  	_ =	shalt  }
0x77: {  	_ =	shalt  }
0x78: {  	_ =	shalt  }
0x79: {  	_ =	shalt  }
0x7a: {  	_ =	shalt  }
0x7b: {  	_ =	shalt  }
0x7c: {  	_ =	shalt  }
0x7d: {  	_ =	shalt  }
0x7e: {  	_ =	shalt  }
0x7f: {  	_ =	shalt  }
0x80: {  	_ =	shalt  }
0x81: {  	_ =	shalt  }
0x82: {  	_ =	shalt  }
0x83: {  	_ =	shalt  }
0x84: {  	_ =	shalt  }
0x85: {  	_ =	shalt  }
0x86: {  	_ =	shalt  }
0x87: {  	_ =	shalt  }
.Lfunc_end0:
.L_simem_size_0:
called_computation_lowered:
.L_overlay_start_0:
0x88: {  	s0 =	sld [smem:$0x3FD9]  }
0x89: {  	s1 =	sld [smem:$0x3FFE];
	_ =	sdelay $0x3  }
0x8a: {  	s0 =	sadd.s32 s1, s0  }
0x8b: {  	[smem:$0x3FC6] =	sst s0  }
0x8c: {  	_ = 	snop  }
0x8d: {  	s0 =	sld [smem:$0x3FC8]  }
0x8e: {  	s16 =	sld [smem:$0x3FD0];
	(tm) =	ssettm $0x1  }
0x8f: {  	s2 =	sld [smem:$0x3FFB];
	_ =	sdelay $0x3  }
0x90: {  	_ =	strace s2  }
0x91: {  	s2 =	sld [smem:$0x3FFC];
	_ =	sdelay $0x3  }
0x92: {  	_ =	strace s2  }
0x93: {  	s2 =	sld [smem:$0x3FFD];
	_ =	sdelay $0x3  }
0x94: {  	_ =	strace s2  }
0x95: {  	_ =	strace $0x8FFFFFFF  }
0x96: {  	s17 =	sld [smem:$0x3FDB];
	_ =	sdelay $0x1  }
0x97: {  	s3 =	simm.s32 $_scs_section_size  }
0x98: {  	s4 =	simm.s32 $_size__tile_overlayer_lowered;
	s5 =	simm.s32 $_tile_overlayer_lowered  }
0x99: {  	s20 =	simm.s32 $0x1BFF;
	s19 =	sshll.u32 s5, $0x1;
	s2 =	sadd.s32 s3, s17  }
0x9a: {  	s6 =	simm.s32 $0x0;
	s18 =	sshll.u32 s4, $0x1;
	s4 =	sadd.s32 s19, s2  }
0x9b: {  	[timem:s6], [sflag:s20] =	dma.local [hbm:s4], s18  }
0x9c: {  	_ =	swait.ge [sflag:s20], s18  }
0x9d: {  	s3 =	ssub.s32 $0x0, s18;
	[sflag:s20] =	ssyncset.done $0x0  }
0x9e: {  	[sflag:s20] =	ssyncadd.s32 s3;
	_ =	sdelay $0x1  }
0x9f: {  	s21 =	simm.s32 $0x1B8B  }
0xa0: {  	_ =	swait.ge [sflag:s21], $0x1  }
0xa1: {  	[sflag:s21] =	ssyncset.done $0x0  }
0xa2: {  	s23 =	simm.s32 $0x1B8E;
	s22 =	sld [smem:$0x3FFE];
	[sflag:s21] =	ssyncadd.s32 $0xFFFFFFFF  }
0xa3: {  	s24 =	simm.s32 $execute0_lowered;
	[smem:$0x3FD2] =	sst s23  }
0xa4: {  	s4 =	sshll.u32 s24, $0x1;
	_ =	strace $0x80000046;
	[dreg:$0x1] =	wrdreg $0xFFFFFFFF  }
0xa5: {  	s25 =	simm.s32 $_size_execute0_lowered;
	s2 =	sadd.s32 s2, s4;
	[dreg:$0x0] =	wrdreg $0x0  }
0xa6: {  	s4 =	sshll.u32 s25, $0x1;
	[dreg:$0x2] =	wrdreg s2  }
0xa7: {  	[dreg:$0x3] =	wrdreg s4  }
0xa8: {  	[dreg:$0x4] =	wrdreg $0xC0  }
0xa9: {  	_ =	task [dreg:s6], $0x5FFFF  }
0xaa: {  	[dreg:$0x1] =	wrdreg $0xFFFFFFFF  }
0xab: {  	[dreg:$0x0] =	wrdreg $0x60  }
0xac: {  	[dreg:$0x2] =	wrdreg s22  }
0xad: {  	[dreg:$0x3] =	wrdreg s0  }
0xae: {  	[dreg:$0x4] =	wrdreg s16  }
0xaf: {  	[dreg:$0x5] =	wrdreg $0x1D000  }
0xb0: {  	[dreg:$0x6] =	wrdreg $0x9  }
0xb1: {  	_ =	task.clear_ibuf [dreg:s6], $0x7FFFF;
	_ =	strace $0x90000046  }
0xb2: {  	s26 =	simm.s32 $0x9;
	_ =	strace $0x80000048  }
0xb3: {  	_ =	swait.ge [sflag:s26], $0x1  }
0xb4: {  	[sflag:s26] =	ssyncadd.s32 $0xFFFFFFFF  }
0xb5: {  	_ =	strace $0x90000048  }
0xb6: {  	_ =	sfence  }
0xb7: {  	s28 =	sld [smem:$0x0];
	_ =	sdelay $0x1  }
0xb8: {  	s29 =	srdreg.scid  }
0xb9: {  	s30 =	sshll.u32 s29, $0xD;
	s31 =	sshrl.u32 s29, $0x2  }
0xba: {  	s1 =	sand.u32 $0x1, s29;
	s2 =	sand.u32 $0x4000, s30;
	s0 =	sadd.s32 s31, s28  }
0xbb: {  	s1 =	sor.u32 s2, s1;
	s0 =	sshll.u32 s0, $0x11  }
0xbc: {  	s0 =	sor.u32 s0, s1  }
0xbd: {  	s0 =	sadd.s32 $0x8F2B, s0  }
0xbe: {  	[sflag:s0] =	ssyncadd.remote.s32 $0x1  }
0xbf: {  	_ =	sfence.sel $0xFFFF  }
0xc0: {  	[dreg:$0x0] =	wrdreg $0xFFFFFFFF;
	(pc) =	sbr.abs _section_cstart, $3  }
0xc1: {  	[dreg:$0x1] =	wrdreg $0xFFFFFFFF  }
0xc2: {  	_ =	task.clear_ibuf [dreg:s6], $0x2FFFF;
	_ =	strace $0x9FFFFFFF  }
0xc3: {  	(tm) =	ssettm $0x7FFFFFFF  }
tec
execute0_lowered:
.L_overlay_start_1:
0x0: {  	(tag) =	ssettag $0x1  }
0x1: {  	s3 =	rddreg [dreg:$0x0]  }
0x2: {  	s5 =	rddreg [dreg:$0x1]  }
0x3: {  	s1 =	rddreg [dreg:$0x2]  }
0x4: {  	s2 =	rddreg [dreg:$0x3];
	s4 =	stileid.u32  }
0x5: {  	s0 =	rddreg [dreg:$0x4];
	_ =	strace $0x80000047;
	p0 =	sne.s32 s4, $0x0  }
0x6: {  	_ =	sfence.sel @p0 $0x180000  }
0x7: {  	[bflag:$0x0] =	sbarrier.arrive @p0 $0xFFFF  }
0x8: {  	_ =	strace @p0 $0x90000047  }
0x9: {  	[bflag:$0x2] =	sbarrier.arrive @p0 $0xFFFF  }
0xa: {  	_ =	shalt @p0  }
.LBB2_1:
0xb: {  	s4 =	simm.s32 $0x0  }
0xc: {  	v0 =	vimm.f32 $0.0e+00;
	[tilespmem:s4], [sflag:$0x1] =	stream.linear.gather [hbm4b:s5+s4], $0x400, $0x38;
	[tilespmem:$0x1D40] =	vst v63  }
0xd: {  	[tilespmem:$0x1400] =	vst v0  }
0xe: {  	[tilespmem:$0x1410] =	vst v0  }
0xf: {  	[tilespmem:$0x1420] =	vst v0  }
0x10: {  	[tilespmem:$0x1430] =	vst v0  }
0x11: {  	[tilespmem:$0x1440] =	vst v0  }
0x12: {  	[tilespmem:$0x1450] =	vst v0  }
0x13: {  	[tilespmem:$0x1460] =	vst v0  }
0x14: {  	[tilespmem:$0x1470] =	vst v0  }
0x15: {  	[tilespmem:$0x1480] =	vst v0  }
0x16: {  	[tilespmem:$0x1490] =	vst v0  }
0x17: {  	[tilespmem:$0x14A0] =	vst v0  }
0x18: {  	[tilespmem:$0x14B0] =	vst v0  }
0x19: {  	[tilespmem:$0x14C0] =	vst v0  }
0x1a: {  	[tilespmem:$0x14D0] =	vst v0  }
0x1b: {  	[tilespmem:$0x14E0] =	vst v0  }
0x1c: {  	[tilespmem:$0x14F0] =	vst v0  }
0x1d: {  	[tilespmem:$0x1500] =	vst v0  }
0x1e: {  	[tilespmem:$0x1510] =	vst v0  }
0x1f: {  	[tilespmem:$0x1520] =	vst v0  }
0x20: {  	[tilespmem:$0x1530] =	vst v0  }
0x21: {  	[tilespmem:$0x1540] =	vst v0  }
0x22: {  	[tilespmem:$0x1550] =	vst v0  }
0x23: {  	[tilespmem:$0x1560] =	vst v0  }
0x24: {  	[tilespmem:$0x1570] =	vst v0  }
0x25: {  	[tilespmem:$0x1580] =	vst v0  }
0x26: {  	[tilespmem:$0x1590] =	vst v0  }
0x27: {  	[tilespmem:$0x15A0] =	vst v0  }
0x28: {  	[tilespmem:$0x15B0] =	vst v0  }
0x29: {  	[tilespmem:$0x15C0] =	vst v0  }
0x2a: {  	[tilespmem:$0x15D0] =	vst v0  }
0x2b: {  	[tilespmem:$0x15E0] =	vst v0  }
0x2c: {  	[tilespmem:$0x15F0] =	vst v0  }
0x2d: {  	[tilespmem:$0x1600] =	vst v0  }
0x2e: {  	[tilespmem:$0x1610] =	vst v0  }
0x2f: {  	[tilespmem:$0x1620] =	vst v0  }
0x30: {  	[tilespmem:$0x1630] =	vst v0  }
0x31: {  	[tilespmem:$0x1640] =	vst v0  }
0x32: {  	[tilespmem:$0x1650] =	vst v0  }
0x33: {  	[tilespmem:$0x1660] =	vst v0  }
0x34: {  	[tilespmem:$0x1670] =	vst v0  }
0x35: {  	[tilespmem:$0x1680] =	vst v0  }
0x36: {  	[tilespmem:$0x1690] =	vst v0  }
0x37: {  	[tilespmem:$0x16A0] =	vst v0  }
0x38: {  	[tilespmem:$0x16B0] =	vst v0  }
0x39: {  	[tilespmem:$0x16C0] =	vst v0  }
0x3a: {  	[tilespmem:$0x16D0] =	vst v0  }
0x3b: {  	[tilespmem:$0x16E0] =	vst v0  }
0x3c: {  	[tilespmem:$0x16F0] =	vst v0  }
0x3d: {  	[tilespmem:$0x1700] =	vst v0  }
0x3e: {  	[tilespmem:$0x1710] =	vst v0  }
0x3f: {  	[tilespmem:$0x1720] =	vst v0  }
0x40: {  	[tilespmem:$0x1730] =	vst v0  }
0x41: {  	[tilespmem:$0x1740] =	vst v0  }
0x42: {  	[tilespmem:$0x1750] =	vst v0  }
0x43: {  	[tilespmem:$0x1760] =	vst v0  }
0x44: {  	[tilespmem:$0x1770] =	vst v0  }
0x45: {  	[tilespmem:$0x1780] =	vst v0  }
0x46: {  	[tilespmem:$0x1790] =	vst v0  }
0x47: {  	[tilespmem:$0x17A0] =	vst v0  }
0x48: {  	[tilespmem:$0x17B0] =	vst v0  }
0x49: {  	[tilespmem:$0x17C0] =	vst v0  }
0x4a: {  	[tilespmem:$0x17D0] =	vst v0  }
0x4b: {  	s30 =	simm.s32 $0x1400;
	s31 =	sand.u32 $0xE00, s4;
	[tilespmem:$0x17E0] =	vst v0  }
0x4c: {  	s3 =	sadd.s32 $0x400, s3;
	s6 =	sand.u32 $0x40, s4;
	[tilespmem:$0x17F0] =	vst v0;
	s7 =	sshrl.u32 s31, $0x2  }
0x4d: {  	[spmem:s2] =	stream.linear.scatter [tilespmem:s30], [sflag:$0x2], $0x400, $0x38;
	[tilespmem:$0x1D40] =	vst v63  }
0x4e: {  	s5 =	simm.s32 $0x0;
	v0 =	vimm.f32 $1.000000000e+00;
	s6 =	sor.u32 s6, s7;
	s7 =	simm.s32 $0x0  }
.LBB2_2:
0x4f: {  	s5 =	sadd.s32 $0x4, s5  }
0x50: {  	[tilespmem:s6+$0xC30] =	vst v0;
	s4 =	sadd.s32 $0x40, s4;
	s7 =	sadd.s32 $0x100, s7;
	p0 =	slt.u32 s5, $0x3C  }
.Ltmp0:
0x51: {  	[tilespmem:s6+$0xC20] =	vst v0;
	(pc) =	sbr.rel @p0 .LBB2_2-.Ltmp0, $4  }
0x52: {  	[tilespmem:s6+$0xC00] =	vst v0  }
0x53: {  	s8 =	sand.u32 $0xE00, s7;
	[tilespmem:s6+$0xC10] =	vst v0  }
0x54: {  	s8 =	sshrl.u32 s8, $0x2;
	s6 =	sand.u32 $0x40, s4  }
0x55: {  	s6 =	sor.u32 s6, s8  }
0x56: {  	[tilespmem:s6+$0xC30] =	vst v0  }
0x57: {  	[tilespmem:s6+$0xC20] =	vst v0  }
0x58: {  	[tilespmem:s6+$0xC00] =	vst v0  }
0x59: {  	[tilespmem:s6+$0xC10] =	vst v0;
	s4 =	simm.s32 $0x1  }
0x5a: {  	_ =	swait.ge [sflag:s4], $0x400  }
0x5b: {  	[sflag:s4] =	ssyncset.done $0x0  }
0x5c: {  	s8 =	simm.s32 $0x2;
	[sflag:s4] =	ssyncadd.s32 $0xFFFFFC00  }
0x5d: {  	_ =	swait.ge [sflag:s8], $0x400  }
0x5e: {  	s9 =	simm.s32 $0x80;
	[sflag:s8] =	ssyncset.done $0x0  }
0x5f: {  	s5 =	simm.s32 $0x0;
	s10 =	simm.s32 $0xC00;
	[sflag:s8] =	ssyncadd.s32 $0xFFFFFC00  }
0x60: {  	[spmem:s2] =	stream.indirect.scatter.add.f32 [tilespmem:s10], [sflag:$0x2], $0x1, s5, s9, $0xb8;
	[tilespmem:$0x1D40] =	vst v63  }
0x61: {  	s11 =	simm.s32 $0xC80  }
0x62: {  	[spmem:s2] =	stream.indirect.scatter.add.f32 [tilespmem:s11], [sflag:$0x2], $0x1, s9, s9, $0xb8;
	[tilespmem:$0x1D40] =	vst v63  }
0x63: {  	s12 =	simm.s32 $0x100;
	s7 =	simm.s32 $0xD00  }
0x64: {  	[spmem:s2] =	stream.indirect.scatter.add.f32 [tilespmem:s7], [sflag:$0x2], $0x1, s12, s9, $0xb8;
	[tilespmem:$0x1D40] =	vst v63  }
0x65: {  	s13 =	simm.s32 $0x180;
	s14 =	simm.s32 $0xD80  }
0x66: {  	[spmem:s2] =	stream.indirect.scatter.add.f32 [tilespmem:s14], [sflag:$0x2], $0x1, s13, s9, $0xb8;
	[tilespmem:$0x1D40] =	vst v63  }
0x67: {  	s15 =	simm.s32 $0x200;
	s16 =	simm.s32 $0xE00  }
0x68: {  	[spmem:s2] =	stream.indirect.scatter.add.f32 [tilespmem:s16], [sflag:$0x2], $0x1, s15, s9, $0xb8;
	[tilespmem:$0x1D40] =	vst v63  }
0x69: {  	s17 =	simm.s32 $0x280;
	s18 =	simm.s32 $0xE80  }
0x6a: {  	[spmem:s2] =	stream.indirect.scatter.add.f32 [tilespmem:s18], [sflag:$0x2], $0x1, s17, s9, $0xb8;
	[tilespmem:$0x1D40] =	vst v63  }
0x6b: {  	s19 =	simm.s32 $0x300;
	s20 =	simm.s32 $0xF00  }
0x6c: {  	[spmem:s2] =	stream.indirect.scatter.add.f32 [tilespmem:s20], [sflag:$0x2], $0x1, s19, s9, $0xb8;
	[tilespmem:$0x1D40] =	vst v63  }
0x6d: {  	s21 =	simm.s32 $0x380;
	s22 =	simm.s32 $0xF80  }
0x6e: {  	[spmem:s2] =	stream.indirect.scatter.add.f32 [tilespmem:s22], [sflag:$0x2], $0x1, s21, s9, $0xb8;
	[tilespmem:$0x1D40] =	vst v63  }
0x6f: {  	v1 =	vld [tilespmem:s5+$0x0];
	_ =	sdelay $0x2  }
0x70: {  	v0 =	vlaneseq.u32  }
0x71: {  	s23 =	simm.s32 $0x0;
	v0 =	vmul.u32 $0x3E8, v0  }
0x72: {  	s24 =	simm.s32 $0x0;
	s25 =	simm.s32 $0x10;
	v1 =	vadd.s32 s23, v1  }
0x73: {  	s26 =	simm.s32 $0x400;
	s4 =	sand.u32 $0x50, s25;
	s5 =	sand.u32 $0x380, s24;
	v1 =	vadd.s32 v0, v1  }
0x74: {  	s4 =	sor.u32 s5, s4;
	[tilespmem:s26+$0x0] =	vst v1  }
0x75: {  	v1 =	vld [tilespmem:s4+$0x0];
	_ =	sdelay $0x3  }
0x76: {  	s28 =	simm.s32 $0x3E80  }
0x77: {  	s29 =	simm.s32 $0x20;
	v1 =	vadd.s32 s28, v1  }
0x78: {  	s6 =	sand.u32 $0x60, s29;
	v1 =	vadd.s32 v0, v1  }
0x79: {  	s6 =	sor.u32 s5, s6;
	[tilespmem:s4+$0x400] =	vst v1  }
0x7a: {  	v1 =	vld [tilespmem:s6+$0x0];
	_ =	sdelay $0x3  }
0x7b: {  	s30 =	simm.s32 $0x7D00  }
0x7c: {  	s4 =	simm.s32 $0x30;
	v1 =	vadd.s32 s30, v1  }
0x7d: {  	s31 =	sand.u32 $0x70, s4;
	v1 =	vadd.s32 v0, v1  }
0x7e: {  	s9 =	sor.u32 s5, s31;
	[tilespmem:s6+$0x400] =	vst v1  }
0x7f: {  	v1 =	vld [tilespmem:s9+$0x0];
	_ =	sdelay $0x3  }
0x80: {  	s5 =	simm.s32 $0xBB80  }
0x81: {  	v1 =	vadd.s32 s5, v1  }
0x82: {  	s8 =	simm.s32 $0x440;
	s7 =	simm.s32 $0x40;
	s6 =	simm.s32 $0x0;
	v1 =	vadd.s32 v0, v1  }
.LBB2_4:
0x83: {  	s6 =	sadd.s32 $0x4, s6;
	[tilespmem:s9+$0x400] =	vst v1;
	s4 =	sadd.s32 $0x40, s4;
	s5 =	sadd.s32 $0xFA00, s5  }
0x84: {  	v1 =	vld [tilespmem:s7+$0x0];
	p0 =	slt.u32 s6, $0x3C;
	_ =	sdelay $0x3  }
0x85: {  	s9 =	sadd.s32 $0xFFFF4480, s5  }
0x86: {  	s10 =	sadd.s32 $0xFFFFFFD0, s4;
	v1 =	vadd.s32 s9, v1;
	s9 =	sadd.s32 $0xFFFFFFE0, s4  }
0x87: {  	s10 =	sand.u32 $0x380, s10;
	v1 =	vadd.s32 v0, v1;
	s9 =	sand.u32 $0x50, s9  }
0x88: {  	[tilespmem:s8+$0x0] =	vst v1;
	s9 =	sor.u32 s10, s9  }
0x89: {  	v1 =	vld [tilespmem:s9+$0x0];
	_ =	sdelay $0x3  }
0x8a: {  	s11 =	sadd.s32 $0xFFFF8300, s5  }
0x8b: {  	v1 =	vadd.s32 s11, v1;
	s11 =	sadd.s32 $0xFFFFFFF0, s4  }
0x8c: {  	v1 =	vadd.s32 v0, v1;
	s11 =	sand.u32 $0x60, s11  }
0x8d: {  	[tilespmem:s9+$0x400] =	vst v1;
	s9 =	sor.u32 s10, s11  }
0x8e: {  	v1 =	vld [tilespmem:s9+$0x0];
	_ =	sdelay $0x3  }
0x8f: {  	s11 =	sadd.s32 $0xFFFFC180, s5  }
0x90: {  	v1 =	vadd.s32 s11, v1  }
0x91: {  	s11 =	sand.u32 $0x70, s4;
	v1 =	vadd.s32 v0, v1  }
0x92: {  	[tilespmem:s9+$0x400] =	vst v1;
	s9 =	sor.u32 s10, s11  }
0x93: {  	v1 =	vld [tilespmem:s9+$0x0];
	_ =	sdelay $0x1  }
.Ltmp1:
0x94: {  	(pc) =	sbr.rel @p0 .LBB2_4-.Ltmp1, $3  }
0x95: {  	_ =	sdelay $0x1  }
0x96: {  	v1 =	vadd.s32 s5, v1  }
0x97: {  	s7 =	sadd.s32 $0x40, s7;
	s8 =	sadd.s32 $0x40, s8;
	v1 =	vadd.s32 v0, v1  }
0x98: {  	[tilespmem:s9+$0x400] =	vst v1;
	s4 =	simm.s32 $0x80;
	s5 =	simm.s32 $0x400;
	s6 =	simm.s32 $0x800  }
0x99: {  	[tilespmem:s6], [sflag:$0x1] =	stream.indirect.gather [hbm4b:s3+s4], $0x1, s5, s4, $0xb8;
	[tilespmem:$0x1D40] =	vst v63  }
0x9a: {  	s16 =	simm.s32 $0x480;
	s17 =	simm.s32 $0x880  }
0x9b: {  	[tilespmem:s17], [sflag:$0x1] =	stream.indirect.gather [hbm4b:s3+s4], $0x1, s16, s4, $0xb8;
	[tilespmem:$0x1D40] =	vst v63  }
0x9c: {  	s18 =	simm.s32 $0x500;
	s19 =	simm.s32 $0x900  }
0x9d: {  	[tilespmem:s19], [sflag:$0x1] =	stream.indirect.gather [hbm4b:s3+s4], $0x1, s18, s4, $0xb8;
	[tilespmem:$0x1D40] =	vst v63  }
0x9e: {  	s20 =	simm.s32 $0x580;
	s21 =	simm.s32 $0x980  }
0x9f: {  	[tilespmem:s21], [sflag:$0x1] =	stream.indirect.gather [hbm4b:s3+s4], $0x1, s20, s4, $0xb8;
	[tilespmem:$0x1D40] =	vst v63  }
0xa0: {  	s22 =	simm.s32 $0x600;
	s23 =	simm.s32 $0xA00  }
0xa1: {  	[tilespmem:s23], [sflag:$0x1] =	stream.indirect.gather [hbm4b:s3+s4], $0x1, s22, s4, $0xb8;
	[tilespmem:$0x1D40] =	vst v63  }
0xa2: {  	s24 =	simm.s32 $0x680;
	s25 =	simm.s32 $0xA80  }
0xa3: {  	[tilespmem:s25], [sflag:$0x1] =	stream.indirect.gather [hbm4b:s3+s4], $0x1, s24, s4, $0xb8;
	[tilespmem:$0x1D40] =	vst v63  }
0xa4: {  	s26 =	simm.s32 $0x700;
	s28 =	simm.s32 $0xB00  }
0xa5: {  	[tilespmem:s28], [sflag:$0x1] =	stream.indirect.gather [hbm4b:s3+s4], $0x1, s26, s4, $0xb8;
	[tilespmem:$0x1D40] =	vst v63  }
0xa6: {  	s29 =	simm.s32 $0x780;
	s30 =	simm.s32 $0xB80;
	s31 =	simm.s32 $0x2  }
0xa7: {  	[tilespmem:s30], [sflag:$0x1] =	stream.indirect.gather [hbm4b:s3+s4], $0x1, s29, s4, $0xb8;
	[tilespmem:$0x1D40] =	vst v63  }
0xa8: {  	_ =	swait.ge [sflag:s31], $0x80  }
0xa9: {  	[sflag:s31] =	ssyncset.done $0x0  }
0xaa: {  	[sflag:s31] =	ssyncadd.s32 $0xFFFFFF80  }
0xab: {  	_ =	swait.ge [sflag:s31], $0x80  }
0xac: {  	[sflag:s31] =	ssyncset.done $0x0  }
0xad: {  	[sflag:s31] =	ssyncadd.s32 $0xFFFFFF80  }
0xae: {  	_ =	swait.ge [sflag:s31], $0x80  }
0xaf: {  	[sflag:s31] =	ssyncset.done $0x0  }
0xb0: {  	[sflag:s31] =	ssyncadd.s32 $0xFFFFFF80  }
0xb1: {  	_ =	swait.ge [sflag:s31], $0x80  }
0xb2: {  	[sflag:s31] =	ssyncset.done $0x0  }
0xb3: {  	[sflag:s31] =	ssyncadd.s32 $0xFFFFFF80  }
0xb4: {  	_ =	swait.ge [sflag:s31], $0x80  }
0xb5: {  	[sflag:s31] =	ssyncset.done $0x0  }
0xb6: {  	[sflag:s31] =	ssyncadd.s32 $0xFFFFFF80  }
0xb7: {  	_ =	swait.ge [sflag:s31], $0x80  }
0xb8: {  	[sflag:s31] =	ssyncset.done $0x0  }
0xb9: {  	[sflag:s31] =	ssyncadd.s32 $0xFFFFFF80  }
0xba: {  	_ =	swait.ge [sflag:s31], $0x80  }
0xbb: {  	[sflag:s31] =	ssyncset.done $0x0  }
.Ltmp2:
0xbc: {  	[sflag:s31] =	ssyncadd.s32 $0xFFFFFF80;
	(pc) =	sbr.rel .LBB2_6-.Ltmp2, $4  }
0xbd: {  	_ =	swait.ge [sflag:s31], $0x80  }
0xbe: {  	[sflag:s31] =	ssyncset.done $0x0  }
0xbf: {  	v0 =	vimm.f32 $0.0e+00;
	[sflag:s31] =	ssyncadd.s32 $0xFFFFFF80  }
0xc0: {  	s5 =	simm.s32 $0x4;
	s3 =	simm.s32 $0x0;
	s4 =	simm.s32 $0x1800;
	[tilespmem:$0x1C80] =	vst v0  }
.LBB2_10:
0xc1: {  	s3 =	sadd.s32 $0x1, s3  }
0xc2: {  	p0 =	sne.s32 s3, $0x18  }
.Ltmp3:
0xc3: {  	_ = 	snop;
	(pc) =	sbr.rel @!p0 .LBB2_11-.Ltmp3, $1  }
0xc4: {  	_ =	sdelay $0x3  }
.LBB2_6:
0xc5: {  	(v2sf) =	vpush v0, $0x0;
	_ =	sdelay $0xe  }
0xc6: {  	s6 =	spop (v2sf)  }
0xc7: {  	p0 =	slt.f32 s6, $1.024000000e+03;
	p1 =	sgt.f32 s6, $1.024000000e+03  }
0xc8: {  	_ = 	snop  }
0xc9: {  	p0 =	por p1, p0  }
0xca: {  	p0 =	por !p0, !p0  }
.Ltmp4:
0xcb: {  	_ = 	snop;
	(pc) =	sbr.rel @p0 .LBB2_10-.Ltmp4, $1  }
0xcc: {  	_ =	sdelay $0x3  }
0xcd: {  	[tilespmem:s4], [sflag:$0x4] =	stream.linear.gather [spmem:s2], $0x400, $0x38;
	[tilespmem:$0x1D40] =	vst v63  }
0xce: {  	_ =	swait.ge [sflag:s5], $0x400  }
0xcf: {  	[sflag:s5] =	ssyncset.done $0x0  }
0xd0: {  	s7 =	simm.s32 $0x1820;
	[sflag:s5] =	ssyncadd.s32 $0xFFFFFC00  }
0xd1: {  	v0 =	vld [tilespmem:s7+$0xFFFFFFE0];
	_ =	sdelay $0x2  }
0xd2: {  	v2 =	vld [tilespmem:s7+$0xFFFFFFF0]  }
0xd3: {  	v1 =	vimm.f32 $0.0e+00  }
0xd4: {  	v3 =	vadd.f32 v0, v1;
	v0 =	vld [tilespmem:s7+$0x0];
	_ =	sdelay $0x1  }
0xd5: {  	v1 =	vld [tilespmem:s7+$0x10]  }
0xd6: {  	s6 =	simm.s32 $0x0;
	s7 =	simm.s32 $0x1860;
	v2 =	vadd.f32 v2, v3  }
.LBB2_8:
0xd7: {  	v3 =	vld [tilespmem:s7+$0xFFFFFFE0];
	s6 =	sadd.s32 $0x4, s6  }
0xd8: {  	p0 =	slt.u32 s6, $0x3C;
	v0 =	vadd.f32 v0, v2  }
0xd9: {  	v2 =	vld [tilespmem:s7+$0xFFFFFFF0]  }
.Ltmp5:
0xda: {  	v1 =	vadd.f32 v1, v0;
	(pc) =	sbr.rel @p0 .LBB2_8-.Ltmp5, $4  }
0xdb: {  	v0 =	vld [tilespmem:s7+$0x0]  }
0xdc: {  	v3 =	vadd.f32 v3, v1  }
0xdd: {  	v1 =	vld [tilespmem:s7+$0x10]  }
0xde: {  	s7 =	sadd.s32 $0x40, s7;
	v2 =	vadd.f32 v2, v3  }
0xdf: {  	_ = 	snop  }
0xe0: {  	v0 =	vadd.f32 v0, v2;
	_ =	sdelay $0x1  }
0xe1: {  	v0 =	vadd.f32 v1, v0;
	_ =	sdelay $0x1  }
0xe2: {  	(v2sf) =	vpush v0, $0x0  }
0xe3: {  	(v2sf) =	vpush v0, $0x1;
	_ =	sdelay $0x1  }
0xe4: {  	(v2sf) =	vpush v0, $0x2;
	_ =	sdelay $0x1  }
0xe5: {  	(v2sf) =	vpush v0, $0x3;
	_ =	sdelay $0x1  }
0xe6: {  	(v2sf) =	vpush v0, $0x4;
	_ =	sdelay $0x1  }
0xe7: {  	(v2sf) =	vpush v0, $0x5;
	_ =	sdelay $0x1  }
0xe8: {  	(v2sf) =	vpush v0, $0x6;
	_ =	sdelay $0x1  }
0xe9: {  	(v2sf) =	vpush v0, $0x7;
	_ =	sdelay $0x1  }
0xea: {  	s6 =	spop (v2sf);
	(v2sf) =	vpush v0, $0x8  }
0xeb: {  	s7 =	spop (v2sf)  }
0xec: {  	(v2sf) =	vpush v0, $0x9;
	s6 =	sadd.f32 s7, s6  }
0xed: {  	s17 =	spop (v2sf)  }
0xee: {  	(v2sf) =	vpush v0, $0xA;
	s6 =	sadd.f32 s6, s17  }
0xef: {  	s18 =	spop (v2sf)  }
0xf0: {  	(v2sf) =	vpush v0, $0xB;
	s6 =	sadd.f32 s6, s18  }
0xf1: {  	s19 =	spop (v2sf)  }
0xf2: {  	(v2sf) =	vpush v0, $0xC;
	s6 =	sadd.f32 s6, s19  }
0xf3: {  	s20 =	spop (v2sf)  }
0xf4: {  	(v2sf) =	vpush v0, $0xD;
	s6 =	sadd.f32 s6, s20  }
0xf5: {  	s21 =	spop (v2sf)  }
0xf6: {  	(v2sf) =	vpush v0, $0xE;
	s6 =	sadd.f32 s6, s21  }
0xf7: {  	s22 =	spop (v2sf)  }
0xf8: {  	(v2sf) =	vpush v0, $0xF;
	s6 =	sadd.f32 s6, s22  }
0xf9: {  	s23 =	spop (v2sf)  }
0xfa: {  	s6 =	sadd.f32 s6, s23  }
0xfb: {  	s24 =	spop (v2sf)  }
0xfc: {  	s6 =	sadd.f32 s6, s24  }
0xfd: {  	s25 =	spop (v2sf)  }
0xfe: {  	s6 =	sadd.f32 s6, s25  }
0xff: {  	s26 =	spop (v2sf)  }
0x100: {  	s6 =	sadd.f32 s6, s26  }
0x101: {  	s28 =	spop (v2sf)  }
0x102: {  	s6 =	sadd.f32 s6, s28  }
0x103: {  	s29 =	spop (v2sf)  }
0x104: {  	s6 =	sadd.f32 s6, s29  }
0x105: {  	s30 =	spop (v2sf)  }
0x106: {  	s6 =	sadd.f32 s6, s30  }
.Ltmp6:
0x107: {  	s31 =	spop (v2sf);
	(pc) =	sbr.rel .LBB2_10-.Ltmp6, $3  }
0x108: {  	s6 =	sadd.f32 s6, s31;
	_ =	sdelay $0x1  }
0x109: {  	v0 =	vmov s6  }
0x10a: {  	[tilespmem:$0x1C80] =	vst v0  }
.LBB2_11:
0x10b: {  	s3 =	simm.s32 $0x80;
	s4 =	simm.s32 $0x0;
	s5 =	simm.s32 $0x1000  }
0x10c: {  	[tilespmem:s5], [sflag:$0x3] =	stream.indirect.gather [spmem:s2], $0x1, s4, s3, $0xb8;
	[tilespmem:$0x1D40] =	vst v63  }
0x10d: {  	s15 =	simm.s32 $0x1080  }
0x10e: {  	[tilespmem:s15], [sflag:$0x3] =	stream.indirect.gather [spmem:s2], $0x1, s3, s3, $0xb8;
	[tilespmem:$0x1D40] =	vst v63  }
0x10f: {  	s16 =	simm.s32 $0x100;
	s17 =	simm.s32 $0x1100  }
0x110: {  	[tilespmem:s17], [sflag:$0x3] =	stream.indirect.gather [spmem:s2], $0x1, s16, s3, $0xb8;
	[tilespmem:$0x1D40] =	vst v63  }
0x111: {  	s18 =	simm.s32 $0x180;
	s19 =	simm.s32 $0x1180  }
0x112: {  	[tilespmem:s19], [sflag:$0x3] =	stream.indirect.gather [spmem:s2], $0x1, s18, s3, $0xb8;
	[tilespmem:$0x1D40] =	vst v63  }
0x113: {  	s20 =	simm.s32 $0x200;
	s21 =	simm.s32 $0x1200  }
0x114: {  	[tilespmem:s21], [sflag:$0x3] =	stream.indirect.gather [spmem:s2], $0x1, s20, s3, $0xb8;
	[tilespmem:$0x1D40] =	vst v63  }
0x115: {  	s22 =	simm.s32 $0x280;
	s23 =	simm.s32 $0x1280  }
0x116: {  	[tilespmem:s23], [sflag:$0x3] =	stream.indirect.gather [spmem:s2], $0x1, s22, s3, $0xb8;
	[tilespmem:$0x1D40] =	vst v63  }
0x117: {  	s24 =	simm.s32 $0x300;
	s25 =	simm.s32 $0x1300  }
0x118: {  	[tilespmem:s25], [sflag:$0x3] =	stream.indirect.gather [spmem:s2], $0x1, s24, s3, $0xb8;
	[tilespmem:$0x1D40] =	vst v63  }
0x119: {  	s26 =	simm.s32 $0x380;
	s28 =	simm.s32 $0x1380;
	s29 =	simm.s32 $0x1  }
0x11a: {  	[tilespmem:s28], [sflag:$0x3] =	stream.indirect.gather [spmem:s2], $0x1, s26, s3, $0xb8;
	[tilespmem:$0x1D40] =	vst v63  }
0x11b: {  	_ =	swait.ge [sflag:s29], $0x80  }
0x11c: {  	[sflag:s29] =	ssyncset.done $0x0  }
0x11d: {  	[sflag:s29] =	ssyncadd.s32 $0xFFFFFF80  }
0x11e: {  	_ =	swait.ge [sflag:s29], $0x80  }
0x11f: {  	[sflag:s29] =	ssyncset.done $0x0  }
0x120: {  	[sflag:s29] =	ssyncadd.s32 $0xFFFFFF80  }
0x121: {  	_ =	swait.ge [sflag:s29], $0x80  }
0x122: {  	[sflag:s29] =	ssyncset.done $0x0  }
0x123: {  	[sflag:s29] =	ssyncadd.s32 $0xFFFFFF80  }
0x124: {  	_ =	swait.ge [sflag:s29], $0x80  }
0x125: {  	[sflag:s29] =	ssyncset.done $0x0  }
0x126: {  	[sflag:s29] =	ssyncadd.s32 $0xFFFFFF80  }
0x127: {  	_ =	swait.ge [sflag:s29], $0x80  }
0x128: {  	[sflag:s29] =	ssyncset.done $0x0  }
0x129: {  	[sflag:s29] =	ssyncadd.s32 $0xFFFFFF80  }
0x12a: {  	_ =	swait.ge [sflag:s29], $0x80  }
0x12b: {  	[sflag:s29] =	ssyncset.done $0x0  }
0x12c: {  	[sflag:s29] =	ssyncadd.s32 $0xFFFFFF80  }
0x12d: {  	_ =	swait.ge [sflag:s29], $0x80  }
0x12e: {  	[sflag:s29] =	ssyncset.done $0x0  }
0x12f: {  	[sflag:s29] =	ssyncadd.s32 $0xFFFFFF80  }
0x130: {  	_ =	swait.ge [sflag:s29], $0x80  }
0x131: {  	[sflag:s29] =	ssyncset.done $0x0  }
0x132: {  	s30 =	simm.s32 $0x3;
	[sflag:s29] =	ssyncadd.s32 $0xFFFFFF80  }
0x133: {  	_ =	swait.ge [sflag:s30], $0x80  }
0x134: {  	[sflag:s30] =	ssyncset.done $0x0  }
0x135: {  	[sflag:s30] =	ssyncadd.s32 $0xFFFFFF80  }
0x136: {  	_ =	swait.ge [sflag:s30], $0x80  }
0x137: {  	[sflag:s30] =	ssyncset.done $0x0  }
0x138: {  	[sflag:s30] =	ssyncadd.s32 $0xFFFFFF80  }
0x139: {  	_ =	swait.ge [sflag:s30], $0x80  }
0x13a: {  	[sflag:s30] =	ssyncset.done $0x0  }
0x13b: {  	[sflag:s30] =	ssyncadd.s32 $0xFFFFFF80  }
0x13c: {  	_ =	swait.ge [sflag:s30], $0x80  }
0x13d: {  	[sflag:s30] =	ssyncset.done $0x0  }
0x13e: {  	[sflag:s30] =	ssyncadd.s32 $0xFFFFFF80  }
0x13f: {  	_ =	swait.ge [sflag:s30], $0x80  }
0x140: {  	[sflag:s30] =	ssyncset.done $0x0  }
0x141: {  	[sflag:s30] =	ssyncadd.s32 $0xFFFFFF80  }
0x142: {  	_ =	swait.ge [sflag:s30], $0x80  }
0x143: {  	[sflag:s30] =	ssyncset.done $0x0  }
0x144: {  	[sflag:s30] =	ssyncadd.s32 $0xFFFFFF80  }
0x145: {  	_ =	swait.ge [sflag:s30], $0x80  }
0x146: {  	[sflag:s30] =	ssyncset.done $0x0  }
0x147: {  	[sflag:s30] =	ssyncadd.s32 $0xFFFFFF80  }
0x148: {  	_ =	swait.ge [sflag:s30], $0x80  }
0x149: {  	[sflag:s30] =	ssyncset.done $0x0  }
0x14a: {  	s31 =	simm.s32 $0x1020;
	[sflag:s30] =	ssyncadd.s32 $0xFFFFFF80  }
0x14b: {  	s2 =	simm.s32 $0x820;
	v3 =	vld [tilespmem:s31+$0xFFFFFFE0]  }
0x14c: {  	v5 =	vld [tilespmem:s2+$0xFFFFFFE0]  }
0x14d: {  	v2 =	vld [tilespmem:s31+$0xFFFFFFF0]  }
0x14e: {  	v6 =	vld [tilespmem:s2+$0xFFFFFFF0]  }
0x14f: {  	v0 =	vld [tilespmem:s31+$0x0]  }
0x150: {  	v4 =	vld [tilespmem:s2+$0x0]  }
0x151: {  	v1 =	vld [tilespmem:s31+$0x10];
	v8 =	vmul.f32 v5, v3  }
0x152: {  	v7 =	vimm.f32 $0.0e+00;
	v9 =	vimm.f32 $0.0e+00;
	s4 =	simm.s32 $0x1060;
	s3 =	simm.s32 $0x0;
	v5 =	vld [tilespmem:s2+$0x10]  }
.LBB2_12:
0x153: {  	v7 =	vadd.f32 v8, v7;
	v8 =	vadd.f32 v3, v9;
	v3 =	vld [tilespmem:s4+$0xFFFFFFE0];
	v6 =	vmul.f32 v6, v2;
	s2 =	sadd.s32 $0x40, s2  }
0x154: {  	s3 =	sadd.s32 $0x4, s3;
	v9 =	vld [tilespmem:s2+$0xFFFFFFE0]  }
0x155: {  	p0 =	slt.u32 s3, $0x3C;
	v7 =	vadd.f32 v6, v7;
	v8 =	vadd.f32 v2, v8;
	v2 =	vld [tilespmem:s4+$0xFFFFFFF0];
	v4 =	vmul.f32 v4, v0  }
.Ltmp7:
0x156: {  	v6 =	vld [tilespmem:s2+$0xFFFFFFF0];
	(pc) =	sbr.rel @p0 .LBB2_12-.Ltmp7, $4  }
0x157: {  	v7 =	vadd.f32 v4, v7;
	v10 =	vadd.f32 v0, v8;
	v0 =	vld [tilespmem:s4+$0x0];
	v5 =	vmul.f32 v5, v1  }
0x158: {  	v4 =	vld [tilespmem:s2+$0x0]  }
0x159: {  	v8 =	vmul.f32 v9, v3;
	v7 =	vadd.f32 v5, v7;
	v9 =	vadd.f32 v1, v10;
	v1 =	vld [tilespmem:s4+$0x10]  }
0x15a: {  	s4 =	sadd.s32 $0x40, s4;
	v5 =	vld [tilespmem:s2+$0x10]  }
0x15b: {  	v7 =	vadd.f32 v8, v7;
	v6 =	vmul.f32 v6, v2  }
0x15c: {  	v3 =	vadd.f32 v3, v9  }
0x15d: {  	v6 =	vadd.f32 v6, v7;
	v4 =	vmul.f32 v4, v0  }
0x15e: {  	v58 =	vadd.f32 v2, v3  }
0x15f: {  	v59 =	vadd.f32 v4, v6;
	v60 =	vmul.f32 v5, v1  }
0x160: {  	v61 =	vadd.f32 v0, v58  }
0x161: {  	v62 =	vadd.f32 v60, v59  }
0x162: {  	v0 =	vadd.f32 v1, v61  }
0x163: {  	(v2sf) =	vpush v62, $0x0  }
0x164: {  	(v2sf) =	vpush v0, $0x0  }
0x165: {  	(v2sf) =	vpush v62, $0x1  }
0x166: {  	(v2sf) =	vpush v0, $0x1  }
0x167: {  	(v2sf) =	vpush v62, $0x2  }
0x168: {  	(v2sf) =	vpush v0, $0x2  }
0x169: {  	(v2sf) =	vpush v62, $0x3  }
0x16a: {  	(v2sf) =	vpush v0, $0x3  }
0x16b: {  	(v2sf) =	vpush v62, $0x4  }
0x16c: {  	(v2sf) =	vpush v0, $0x4  }
0x16d: {  	(v2sf) =	vpush v62, $0x5  }
0x16e: {  	(v2sf) =	vpush v0, $0x5  }
0x16f: {  	(v2sf) =	vpush v62, $0x6  }
0x170: {  	(v2sf) =	vpush v0, $0x6  }
0x171: {  	(v2sf) =	vpush v62, $0x7  }
0x172: {  	s2 =	spop (v2sf);
	(v2sf) =	vpush v0, $0x7  }
0x173: {  	s3 =	spop (v2sf);
	(v2sf) =	vpush v62, $0x8  }
0x174: {  	s4 =	spop (v2sf);
	(v2sf) =	vpush v0, $0x8  }
0x175: {  	s5 =	spop (v2sf);
	(v2sf) =	vpush v62, $0x9  }
0x176: {  	s3 =	sadd.f32 s5, s3;
	s25 =	spop (v2sf);
	(v2sf) =	vpush v0, $0x9  }
0x177: {  	s6 =	spop (v2sf);
	(v2sf) =	vpush v62, $0xA  }
0x178: {  	s3 =	sadd.f32 s3, s6;
	s26 =	spop (v2sf);
	(v2sf) =	vpush v0, $0xA  }
0x179: {  	s7 =	spop (v2sf);
	(v2sf) =	vpush v62, $0xB  }
0x17a: {  	s3 =	sadd.f32 s3, s7;
	s28 =	spop (v2sf);
	(v2sf) =	vpush v0, $0xB  }
0x17b: {  	s8 =	spop (v2sf);
	(v2sf) =	vpush v62, $0xC  }
0x17c: {  	s3 =	sadd.f32 s3, s8;
	s29 =	spop (v2sf);
	(v2sf) =	vpush v0, $0xC  }
0x17d: {  	s9 =	spop (v2sf);
	(v2sf) =	vpush v62, $0xD  }
0x17e: {  	s3 =	sadd.f32 s3, s9;
	s30 =	spop (v2sf);
	(v2sf) =	vpush v0, $0xD  }
0x17f: {  	s10 =	spop (v2sf);
	(v2sf) =	vpush v62, $0xE  }
0x180: {  	s3 =	sadd.f32 s3, s10;
	s31 =	spop (v2sf);
	(v2sf) =	vpush v0, $0xE  }
0x181: {  	s2 =	sadd.f32 s4, s2;
	s11 =	spop (v2sf);
	(v2sf) =	vpush v62, $0xF  }
0x182: {  	s3 =	sadd.f32 s3, s11;
	s12 =	spop (v2sf);
	(v2sf) =	vpush v0, $0xF  }
0x183: {  	s2 =	sadd.f32 s2, s25;
	s13 =	spop (v2sf)  }
0x184: {  	s3 =	sadd.f32 s3, s13;
	s14 =	spop (v2sf)  }
0x185: {  	s2 =	sadd.f32 s2, s26;
	s15 =	spop (v2sf)  }
0x186: {  	s3 =	sadd.f32 s3, s15;
	s16 =	spop (v2sf)  }
0x187: {  	s2 =	sadd.f32 s2, s28;
	s17 =	spop (v2sf)  }
0x188: {  	s3 =	sadd.f32 s3, s17;
	s18 =	spop (v2sf)  }
0x189: {  	s2 =	sadd.f32 s2, s29;
	s19 =	spop (v2sf)  }
0x18a: {  	s3 =	sadd.f32 s3, s19;
	s20 =	spop (v2sf)  }
0x18b: {  	s2 =	sadd.f32 s2, s30;
	s21 =	spop (v2sf)  }
0x18c: {  	s3 =	sadd.f32 s3, s21;
	s22 =	spop (v2sf)  }
0x18d: {  	s2 =	sadd.f32 s2, s31;
	s23 =	spop (v2sf)  }
0x18e: {  	s3 =	sadd.f32 s3, s23;
	s24 =	spop (v2sf)  }
0x18f: {  	s2 =	sadd.f32 s2, s12;
	s25 =	spop (v2sf)  }
0x190: {  	s3 =	sadd.f32 s3, s25;
	s26 =	spop (v2sf)  }
0x191: {  	s2 =	sadd.f32 s2, s14;
	s28 =	spop (v2sf)  }
0x192: {  	s3 =	sadd.f32 s3, s28  }
0x193: {  	s2 =	sadd.f32 s2, s16  }
0x194: {  	v63 =	vmov s3  }
0x195: {  	s2 =	sadd.f32 s2, s18;
	(erf) = vrcp.f32 v63;
	_ =	sdelay $0x1  }
0x196: {  	s2 =	sadd.f32 s2, s20;
	_ =	sdelay $0x1  }
0x197: {  	s2 =	sadd.f32 s2, s22;
	_ =	sdelay $0x1  }
0x198: {  	s2 =	sadd.f32 s2, s24;
	_ =	sdelay $0x1  }
0x199: {  	s2 =	sadd.f32 s2, s26  }
0x19a: {  	v0 =	vpop (erf)  }
0x19b: {  	v0 =	vmul.f32 s2, v0;
	_ =	sdelay $0x1  }
0x19c: {  	v0 =	vsub.f32 $0.0e+00, v0;
	_ =	sdelay $0x1  }
0x19d: {  	s29 =	simm.s32 $0x0;
	s30 =	simm.s32 $0x1C00;
	s31 =	simm.s32 $0x4;
	[tilespmem:$0x1C00] =	vst v0  }
0x19e: {  	[hbm4b:s1+s29] =	stream.linear.scatter [tilespmem:s30], [sflag:$0x4], $0x80, $0x38;
	[tilespmem:$0x1D40] =	vst v63  }
0x19f: {  	_ =	swait.ge [sflag:s31], $0x80  }
0x1a0: {  	[sflag:s31] =	ssyncset.done $0x0  }
0x1a1: {  	[sflag:s31] =	ssyncadd.s32 $0xFFFFFF80  }
0x1a2: {  	_ =	sfence.sel $0x180000  }
0x1a3: {  	[bflag:$0x0] =	sbarrier.arrive $0xFFFF  }
0x1a4: {  	_ =	strace $0x90000047  }
0x1a5: {  	s0 =	sadd.s32 $0x100000, s0;
	[bflag:$0x2] =	sbarrier.arrive $0xFFFF  }
0x1a6: {  	[sflag:s0] =	ssyncadd.tile.s32 $0x1;
	_ =	shalt  }
.Lfunc_end2:
_tile_overlayer_lowered:
.L_overlay_start_2:
0x1a7: {  	(tag) =	ssettag $0x2  }
0x1a8: {  	s0 =	rddreg [dreg:$0x0];
	s2 =	stileid.u32  }
0x1a9: {  	s1 =	rddreg [dreg:$0x1];
	p0 =	sne.s32 s2, $0x0  }
0x1aa: {  	s3 =	rddreg [dreg:$0x2];
	[bflag:$0x3] =	sbarrier.arrive $0xFFFF;
	s2 =	simm.s32 @!p0 $0x1C04  }
0x1ab: {  	[timem:s3], [sflag:s2] =	dma.local @!p0 [hbm:s0], s1  }
0x1ac: {  	s0 =	simm.s32 @!p0 $0x4  }
0x1ad: {  	_ =	swait.ge @!p0 [sflag:s0], s1  }
0x1ae: {  	s1 =	ssub.s32 @!p0 $0x0, s1;
	[sflag:s0] =	ssyncset.done @!p0 $0x0  }
0x1af: {  	[sflag:s0] =	ssyncadd.s32 @!p0 s1  }
0x1b0: {  	[bflag:$0x3] =	sbarrier.arrive $0xFFFF  }
0x1b1: {  	_ =	shalt  }

</sc_bundles>
